<compile_context>
chip_gen: v7x
topology: tpu7x:2x2x1
jax: 0.10.2.dev20260603
libtpu: 0.0.44.dev20260713+nightly
codegen_flags: <defaults>
</compile_context>

<pallas_src>
import functools

import jax
import jax.numpy as jnp
from jax import lax
from jax.experimental import pallas as pl
from jax.experimental.pallas import tpu as pltpu
from jax.experimental.pallas import tpu_sc as plsc

_BT = 512
_BTS = 512
_NE = 4


def _route_kernel(x_ref, wg_ref, bg_ref, pos_ref, seid_ref, elo_ref, ehi_ref):
    N, H = x_ref.shape
    E = wg_ref.shape[0]
    ii = lax.broadcasted_iota(jnp.int32, (_BT, _BT), 0)
    jj = lax.broadcasted_iota(jnp.int32, (_BT, _BT), 1)
    tri = (jj < ii).astype(jnp.bfloat16)
    ie = lax.broadcasted_iota(jnp.int32, (E, E), 0)
    je = lax.broadcasted_iota(jnp.int32, (E, E), 1)
    triu = (ie <= je).astype(jnp.float32)
    x = x_ref[...]
    logits = lax.dot_general(x, wg_ref[...], (((1,), (1,)), ((), ())),
                             preferred_element_type=jnp.float32)
    logits = logits + bg_ref[...]
    mx = jnp.max(logits, axis=1, keepdims=True)
    iota_e = lax.broadcasted_iota(jnp.int32, (N, E), 1)
    eid = jnp.min(jnp.where(logits == mx, iota_e, E), axis=1, keepdims=True)
    onehot = (iota_e == eid).astype(jnp.float32)
    counts = jnp.sum(onehot, axis=0, keepdims=True)
    ends = lax.dot_general(counts, triu, (((1,), (0,)), ((), ())),
                           precision=lax.Precision.HIGHEST)
    offsets = ends - counts

    oh16 = onehot.astype(jnp.bfloat16)
    base = offsets
    parts = []
    for b in range(N // _BT):
        oh = oh16[b * _BT:(b + 1) * _BT]
        rb = lax.dot_general(tri, oh, (((1,), (0,)), ((), ())),
                             preferred_element_type=jnp.float32) + base
        parts.append(jnp.sum(rb * onehot[b * _BT:(b + 1) * _BT],
                             axis=1, keepdims=True))
        base = rb[_BT - 1:_BT] + oh[_BT - 1:_BT].astype(jnp.float32)
    pos = jnp.concatenate(parts, axis=0)
    pos_ref[...] = pos.astype(jnp.int32).reshape(N)

    iota_p = lax.broadcasted_iota(jnp.int32, (N, 1), 0).astype(jnp.float32)
    ge = (iota_p >= ends).astype(jnp.float32)
    seid_ref[...] = jnp.sum(ge, axis=1, keepdims=True).astype(jnp.int32)

    NB = N // _BTS
    iota_b = lax.broadcasted_iota(jnp.int32, (NB, 1), 0).astype(jnp.float32)
    lo = (iota_b * _BTS >= ends).astype(jnp.float32)
    hi = (iota_b * _BTS + (_BTS - 1) >= ends).astype(jnp.float32)
    elo_ref[...] = jnp.sum(lo, axis=1, keepdims=True).astype(jnp.int32).reshape(NB)
    ehi_ref[...] = jnp.sum(hi, axis=1, keepdims=True).astype(jnp.int32).reshape(NB)


def _route(x, W_gate, b_gate):
    N, H = x.shape
    E = W_gate.shape[0]
    NB = N // _BTS
    bg = b_gate.reshape(1, E)
    return pl.pallas_call(
        _route_kernel,
        grid=(1,),
        in_specs=[
            pl.BlockSpec((N, H), lambda i: (0, 0)),
            pl.BlockSpec((E, H), lambda i: (0, 0)),
            pl.BlockSpec((1, E), lambda i: (0, 0)),
        ],
        out_specs=[
            pl.BlockSpec((N,), lambda i: (0,)),
            pl.BlockSpec((N, 1), lambda i: (0, 0)),
            pl.BlockSpec((NB,), lambda i: (0,)),
            pl.BlockSpec((NB,), lambda i: (0,)),
        ],
        out_shape=[
            jax.ShapeDtypeStruct((N,), jnp.int32),
            jax.ShapeDtypeStruct((N, 1), jnp.int32),
            jax.ShapeDtypeStruct((NB,), jnp.int32),
            jax.ShapeDtypeStruct((NB,), jnp.int32),
        ],
    )(x, W_gate, bg)


def _expert_kernel(elo_ref, ehi_ref, xs_ref, seid_ref, w2_ref, be_ref, out_ref):
    b = pl.program_id(0)
    elo = elo_ref[b]
    ehi = ehi_ref[b]
    xsb = xs_ref[...]
    seid = seid_ref[...]
    BTS, OUT = out_ref.shape
    E = be_ref.shape[0]
    nch = (ehi - elo) // _NE + 1

    def body(c, acc):
        e0 = elo + c * _NE
        e0c = jnp.minimum(e0, E - _NE)
        wchunk = w2_ref[pl.ds(e0c * OUT, _NE * OUT), :]
        y = lax.dot_general(xsb, wchunk, (((1,), (1,)), ((), ())),
                            preferred_element_type=jnp.float32)
        for j in range(_NE):
            ej = e0c + j
            sel = jnp.logical_and(seid == ej, ej >= e0)
            acc = acc + jnp.where(sel, y[:, j * OUT:(j + 1) * OUT], 0.0)
        return acc

    acc = lax.fori_loop(0, nch, body, jnp.zeros((BTS, OUT), jnp.float32))
    iota_e = lax.broadcasted_iota(jnp.int32, (BTS, E), 1)
    onehot = (iota_e == seid).astype(jnp.float32)
    out_ref[...] = acc + jnp.dot(onehot, be_ref[...],
                                 preferred_element_type=jnp.float32)


def _expert_apply(e_lo, e_hi, xs, seid2, W2, b_experts):
    N, H = xs.shape
    E, OUT = b_experts.shape
    NB = N // _BTS
    return pl.pallas_call(
        _expert_kernel,
        grid=(NB,),
        in_specs=[
            pl.BlockSpec(memory_space=pltpu.SMEM),
            pl.BlockSpec(memory_space=pltpu.SMEM),
            pl.BlockSpec((_BTS, H), lambda b: (b, 0)),
            pl.BlockSpec((_BTS, 1), lambda b: (b, 0)),
            pl.BlockSpec(W2.shape, lambda b: (0, 0)),
            pl.BlockSpec((E, OUT), lambda b: (0, 0)),
        ],
        out_specs=pl.BlockSpec((_BTS, OUT), lambda b: (b, 0)),
        out_shape=jax.ShapeDtypeStruct((N, OUT), jnp.float32),
    )(e_lo, e_hi, xs, seid2, W2, b_experts)


def _make_permute(N, H, direction):
    info = plsc.get_sparse_core_info()
    NC, NS = info.num_cores, info.num_subcores
    TPW = N // (NC * NS)
    mesh = plsc.VectorSubcoreMesh(core_axis_name="c", subcore_axis_name="s")

    @functools.partial(
        pl.kernel, mesh=mesh,
        out_type=jax.ShapeDtypeStruct((N, H), jnp.float32),
        scratch_types=[
            pltpu.VMEM((TPW,), jnp.int32),
            pltpu.VMEM((TPW, H), jnp.float32),
            pltpu.SemaphoreType.DMA,
        ],
    )
    def permute(src_hbm, pos_hbm, dst_hbm, idx_v, rows_v, sem):
        wid = lax.axis_index("s") * NC + lax.axis_index("c")
        base = wid * TPW
        pltpu.sync_copy(pos_hbm.at[pl.ds(base, TPW)], idx_v)
        if direction == "scatter":
            pltpu.sync_copy(src_hbm.at[pl.ds(base, TPW)], rows_v)
            pltpu.async_copy(rows_v, dst_hbm.at[idx_v], sem).wait()
        else:
            pltpu.async_copy(src_hbm.at[idx_v], rows_v, sem).wait()
            pltpu.sync_copy(rows_v, dst_hbm.at[pl.ds(base, TPW)])

    return permute


def kernel(x, W_experts, b_experts, W_gate, b_gate):
    N, H = x.shape
    E, OUT, _ = W_experts.shape
    pos, seid2, e_lo, e_hi = _route(x, W_gate, b_gate)
    xs = _make_permute(N, H, "scatter")(x, pos)
    W2 = W_experts.reshape(E * OUT, H)
    outs = _expert_apply(e_lo, e_hi, xs, seid2, W2, b_experts)
    return _make_permute(N, OUT, "gather")(outs, pos)

# --- scband reference (transcript-rebuilt; emitter-appended) ---
"""Pipeline reference for scband-mo-emodule-17695265259900 (READ-ONLY COPY).

The authoritative reference and input builder live on the scoring server;
editing this copy changes nothing except your own understanding.
"""

import jax, jax.numpy as jnp
import numpy as np

N = 4096
HIDDEN = 128
OUT = 128
E = 64

def setup_inputs(seed: int = 0) -> dict:
    key = jax.random.key(seed)
    k1, k2, k3, k4, k5 = jax.random.split(key, 5)
    x = jax.random.normal(k1, (N, HIDDEN), dtype=jnp.float32)
    W_experts = jax.random.normal(k2, (E, OUT, HIDDEN), dtype=jnp.float32) * (1.0 / np.sqrt(HIDDEN))
    b_experts = jax.random.normal(k3, (E, OUT), dtype=jnp.float32) * 0.01
    W_gate = jax.random.normal(k4, (E, HIDDEN), dtype=jnp.float32) * (1.0 / np.sqrt(HIDDEN))
    b_gate = jax.random.normal(k5, (E,), dtype=jnp.float32) * 0.01
    return {"x": x, "W_experts": W_experts, "b_experts": b_experts, "W_gate": W_gate, "b_gate": b_gate}

def reference(x, W_experts, b_experts, W_gate, b_gate):
    # gate: nn.Linear(hidden_dim, num_experts) -> softmax -> argmax (top-1 routing)
    logits = x @ W_gate.T + b_gate
    weights = jax.nn.softmax(logits, axis=-1)
    expert_idx = jnp.argmax(weights, axis=-1)  # int32[N]
    # per-token expert apply: out[n] = x[n] @ W_experts[expert_idx[n]].T + b_experts[expert_idx[n]]
    W_sel = jnp.take(W_experts, expert_idx, axis=0)  # [N, OUT, HIDDEN] gather (memory-dominant)
    b_sel = jnp.take(b_experts, expert_idx, axis=0)  # [N, OUT]
    out = jnp.einsum('nd,nod->no', x, W_sel) + b_sel
    return out

if __name__ == "__main__":
    import jax
    _d = setup_inputs()
    print(jax.jit(kernel)(*tuple(_d.values())))

</pallas_src>

<mosaic_0001>
#map = affine_map<(d0, d1) -> (0, 0)>
#map1 = affine_map<(d0, d1) -> (0)>
module attributes {stable_mosaic.version = 14 : i64} {
  func.func @permute(%arg0: i32, %arg1: i32, %arg2: memref<4096x128xf32, #tpu.memory_space<hbm>>, %arg3: memref<4096xi32, #tpu.memory_space<hbm>>, %arg4: memref<4096x128xf32, #tpu.memory_space<hbm>>, %arg5: memref<128xi32, #tpu.memory_space<vmem>>, %arg6: memref<128x128xf32, #tpu.memory_space<vmem>>, %arg7: memref<!tpu.dma_semaphore, #tpu.memory_space<semaphore_mem>>) attributes {dimension_semantics = [#tpu.dimension_semantics<core_parallel>, #tpu.dimension_semantics<subcore_parallel>], iteration_bounds = array<i64: 2, 16>, scalar_prefetch = 0 : i64, scratch_operands = 3 : i64, tpu.core_type = #tpu.core_type<sc_vector_subcore>, window_params = [{transform_indices = #map}, {transform_indices = #map1}, {transform_indices = #map}]} {
    %mul3A = arith.constant 2 : i32
    %mul3A_0 = arith.muli %arg1, %mul3A : i32
    %add3A = arith.addi %mul3A_0, %arg0 : i32
    %mul3A_1 = arith.constant 128 : i32
    %mul3A_2 = arith.muli %add3A, %mul3A_1 : i32
    "tpu.region"() ({
      %run_scoped3A = tpu.sem_alloc : memref<!tpu.dma_semaphore, #tpu.memory_space<semaphore_mem>>
      %dma_start3A_7 = tpu.memref_slice %arg3[%mul3A_2] : memref<4096xi32, #tpu.memory_space<hbm>> -> memref<128xi32, #tpu.memory_space<hbm>>
      %dma_start3A_8 = tpu.memref_slice %arg3[%mul3A_2] : memref<4096xi32, #tpu.memory_space<hbm>> -> memref<128xi32, #tpu.memory_space<hbm>>
      tpu.enqueue_dma source(%dma_start3A_8 : memref<128xi32, #tpu.memory_space<hbm>>) target(%arg5 : memref<128xi32, #tpu.memory_space<vmem>>) target_semaphore(%run_scoped3A : memref<!tpu.dma_semaphore, #tpu.memory_space<semaphore_mem>>)
      %dma_wait3A_9 = tpu.memref_slice %arg3[%mul3A_2] : memref<4096xi32, #tpu.memory_space<hbm>> -> memref<128xi32, #tpu.memory_space<hbm>>
      %dma_wait3A_10 = tpu.memref_slice %arg3[%mul3A_2] : memref<4096xi32, #tpu.memory_space<hbm>> -> memref<128xi32, #tpu.memory_space<hbm>>
      tpu.wait_dma2 semaphore(%run_scoped3A : memref<!tpu.dma_semaphore, #tpu.memory_space<semaphore_mem>>) src(%dma_wait3A_10 : memref<128xi32, #tpu.memory_space<hbm>>) dst(%arg5 : memref<128xi32, #tpu.memory_space<vmem>>)
      tpu.yield
    }) : () -> ()
    %dma_start3A = arith.constant 0 : i32
    %dma_start3A_3 = arith.constant 0 : i32
    %dma_start3A_4 = tpu.memref_slice %arg2[%dma_start3A, %dma_start3A_3] : memref<4096x128xf32, #tpu.memory_space<hbm>> -> memref<4096x128xf32, #tpu.memory_space<hbm>>
    tpu.enqueue_indirect_dma source(%dma_start3A_4 : memref<4096x128xf32, #tpu.memory_space<hbm>>) target(%arg6 : memref<128x128xf32, #tpu.memory_space<vmem>>) offsets(%arg5 : memref<128xi32, #tpu.memory_space<vmem>>) semaphore(%arg7 : memref<!tpu.dma_semaphore, #tpu.memory_space<semaphore_mem>>)
    %dma_wait3A = arith.constant 0 : i32
    %dma_wait3A_5 = arith.constant 0 : i32
    %dma_wait3A_6 = tpu.memref_slice %arg2[%dma_wait3A, %dma_wait3A_5] : memref<4096x128xf32, #tpu.memory_space<hbm>> -> memref<4096x128xf32, #tpu.memory_space<hbm>>
    tpu.wait_indirect_dma semaphore(%arg7 : memref<!tpu.dma_semaphore, #tpu.memory_space<semaphore_mem>>) src(%dma_wait3A_6 : memref<4096x128xf32, #tpu.memory_space<hbm>>) dst(%arg6 : memref<128x128xf32, #tpu.memory_space<vmem>>)
    "tpu.region"() ({
      %run_scoped3A = tpu.sem_alloc : memref<!tpu.dma_semaphore, #tpu.memory_space<semaphore_mem>>
      %dma_start3A_7 = arith.constant 0 : i32
      %dma_start3A_8 = tpu.memref_slice %arg4[%mul3A_2, %dma_start3A_7] : memref<4096x128xf32, #tpu.memory_space<hbm>> -> memref<128x128xf32, #tpu.memory_space<hbm>>
      %dma_start3A_9 = arith.constant 0 : i32
      %dma_start3A_10 = tpu.memref_slice %arg4[%mul3A_2, %dma_start3A_9] : memref<4096x128xf32, #tpu.memory_space<hbm>> -> memref<128x128xf32, #tpu.memory_space<hbm>>
      tpu.enqueue_dma source(%arg6 : memref<128x128xf32, #tpu.memory_space<vmem>>) target(%dma_start3A_10 : memref<128x128xf32, #tpu.memory_space<hbm>>) target_semaphore(%run_scoped3A : memref<!tpu.dma_semaphore, #tpu.memory_space<semaphore_mem>>)
      %dma_wait3A_11 = arith.constant 0 : i32
      %dma_wait3A_12 = tpu.memref_slice %arg4[%mul3A_2, %dma_wait3A_11] : memref<4096x128xf32, #tpu.memory_space<hbm>> -> memref<128x128xf32, #tpu.memory_space<hbm>>
      %dma_wait3A_13 = arith.constant 0 : i32
      %dma_wait3A_14 = tpu.memref_slice %arg4[%mul3A_2, %dma_wait3A_13] : memref<4096x128xf32, #tpu.memory_space<hbm>> -> memref<128x128xf32, #tpu.memory_space<hbm>>
      tpu.wait_dma2 semaphore(%run_scoped3A : memref<!tpu.dma_semaphore, #tpu.memory_space<semaphore_mem>>) src(%arg6 : memref<128x128xf32, #tpu.memory_space<vmem>>) dst(%dma_wait3A_14 : memref<128x128xf32, #tpu.memory_space<hbm>>)
      tpu.yield
    }) : () -> ()
    return
  }
}

#map = affine_map<(d0, d1) -> (0, 0)>
#map1 = affine_map<(d0, d1) -> (0)>
module attributes {stable_mosaic.version = 14 : i64} {
  func.func @permute(%arg0: i32, %arg1: i32, %arg2: memref<4096x128xf32, #tpu.memory_space<hbm>>, %arg3: memref<4096xi32, #tpu.memory_space<hbm>>, %arg4: memref<4096x128xf32, #tpu.memory_space<hbm>>, %arg5: memref<128xi32, #tpu.memory_space<vmem>>, %arg6: memref<128x128xf32, #tpu.memory_space<vmem>>, %arg7: memref<!tpu.dma_semaphore, #tpu.memory_space<semaphore_mem>>) attributes {dimension_semantics = [#tpu.dimension_semantics<core_parallel>, #tpu.dimension_semantics<subcore_parallel>], iteration_bounds = array<i64: 2, 16>, scalar_prefetch = 0 : i64, scratch_operands = 3 : i64, tpu.core_type = #tpu.core_type<sc_vector_subcore>, window_params = [{transform_indices = #map}, {transform_indices = #map1}, {transform_indices = #map}]} {
    %mul3A = arith.constant 2 : i32
    %mul3A_0 = arith.muli %arg1, %mul3A : i32
    %add3A = arith.addi %mul3A_0, %arg0 : i32
    %mul3A_1 = arith.constant 128 : i32
    %mul3A_2 = arith.muli %add3A, %mul3A_1 : i32
    "tpu.region"() ({
      %run_scoped3A = tpu.sem_alloc : memref<!tpu.dma_semaphore, #tpu.memory_space<semaphore_mem>>
      %dma_start3A_7 = tpu.memref_slice %arg3[%mul3A_2] : memref<4096xi32, #tpu.memory_space<hbm>> -> memref<128xi32, #tpu.memory_space<hbm>>
      %dma_start3A_8 = tpu.memref_slice %arg3[%mul3A_2] : memref<4096xi32, #tpu.memory_space<hbm>> -> memref<128xi32, #tpu.memory_space<hbm>>
      tpu.enqueue_dma source(%dma_start3A_8 : memref<128xi32, #tpu.memory_space<hbm>>) target(%arg5 : memref<128xi32, #tpu.memory_space<vmem>>) target_semaphore(%run_scoped3A : memref<!tpu.dma_semaphore, #tpu.memory_space<semaphore_mem>>)
      %dma_wait3A_9 = tpu.memref_slice %arg3[%mul3A_2] : memref<4096xi32, #tpu.memory_space<hbm>> -> memref<128xi32, #tpu.memory_space<hbm>>
      %dma_wait3A_10 = tpu.memref_slice %arg3[%mul3A_2] : memref<4096xi32, #tpu.memory_space<hbm>> -> memref<128xi32, #tpu.memory_space<hbm>>
      tpu.wait_dma2 semaphore(%run_scoped3A : memref<!tpu.dma_semaphore, #tpu.memory_space<semaphore_mem>>) src(%dma_wait3A_10 : memref<128xi32, #tpu.memory_space<hbm>>) dst(%arg5 : memref<128xi32, #tpu.memory_space<vmem>>)
      tpu.yield
    }) : () -> ()
    "tpu.region"() ({
      %run_scoped3A = tpu.sem_alloc : memref<!tpu.dma_semaphore, #tpu.memory_space<semaphore_mem>>
      %dma_start3A_7 = arith.constant 0 : i32
      %dma_start3A_8 = tpu.memref_slice %arg2[%mul3A_2, %dma_start3A_7] : memref<4096x128xf32, #tpu.memory_space<hbm>> -> memref<128x128xf32, #tpu.memory_space<hbm>>
      %dma_start3A_9 = arith.constant 0 : i32
      %dma_start3A_10 = tpu.memref_slice %arg2[%mul3A_2, %dma_start3A_9] : memref<4096x128xf32, #tpu.memory_space<hbm>> -> memref<128x128xf32, #tpu.memory_space<hbm>>
      tpu.enqueue_dma source(%dma_start3A_10 : memref<128x128xf32, #tpu.memory_space<hbm>>) target(%arg6 : memref<128x128xf32, #tpu.memory_space<vmem>>) target_semaphore(%run_scoped3A : memref<!tpu.dma_semaphore, #tpu.memory_space<semaphore_mem>>)
      %dma_wait3A_11 = arith.constant 0 : i32
      %dma_wait3A_12 = tpu.memref_slice %arg2[%mul3A_2, %dma_wait3A_11] : memref<4096x128xf32, #tpu.memory_space<hbm>> -> memref<128x128xf32, #tpu.memory_space<hbm>>
      %dma_wait3A_13 = arith.constant 0 : i32
      %dma_wait3A_14 = tpu.memref_slice %arg2[%mul3A_2, %dma_wait3A_13] : memref<4096x128xf32, #tpu.memory_space<hbm>> -> memref<128x128xf32, #tpu.memory_space<hbm>>
      tpu.wait_dma2 semaphore(%run_scoped3A : memref<!tpu.dma_semaphore, #tpu.memory_space<semaphore_mem>>) src(%dma_wait3A_14 : memref<128x128xf32, #tpu.memory_space<hbm>>) dst(%arg6 : memref<128x128xf32, #tpu.memory_space<vmem>>)
      tpu.yield
    }) : () -> ()
    %dma_start3A = arith.constant 0 : i32
    %dma_start3A_3 = arith.constant 0 : i32
    %dma_start3A_4 = tpu.memref_slice %arg4[%dma_start3A, %dma_start3A_3] : memref<4096x128xf32, #tpu.memory_space<hbm>> -> memref<4096x128xf32, #tpu.memory_space<hbm>>
    tpu.enqueue_indirect_dma source(%arg6 : memref<128x128xf32, #tpu.memory_space<vmem>>) target(%dma_start3A_4 : memref<4096x128xf32, #tpu.memory_space<hbm>>) offsets(%arg5 : memref<128xi32, #tpu.memory_space<vmem>>) semaphore(%arg7 : memref<!tpu.dma_semaphore, #tpu.memory_space<semaphore_mem>>)
    %dma_wait3A = arith.constant 0 : i32
    %dma_wait3A_5 = arith.constant 0 : i32
    %dma_wait3A_6 = tpu.memref_slice %arg4[%dma_wait3A, %dma_wait3A_5] : memref<4096x128xf32, #tpu.memory_space<hbm>> -> memref<4096x128xf32, #tpu.memory_space<hbm>>
    tpu.wait_indirect_dma semaphore(%arg7 : memref<!tpu.dma_semaphore, #tpu.memory_space<semaphore_mem>>) src(%arg6 : memref<128x128xf32, #tpu.memory_space<vmem>>) dst(%dma_wait3A_6 : memref<4096x128xf32, #tpu.memory_space<hbm>>)
    return
  }
}

module attributes {stable_mosaic.version = 14 : i64} {
  func.func @_expert_kernel(%arg0: i32, %arg1: memref<8xi32, #tpu.memory_space<smem>>, %arg2: memref<8xi32, #tpu.memory_space<smem>>, %arg3: memref<512x128xf32, #tpu.memory_space<vmem>>, %arg4: memref<512x1xi32, #tpu.memory_space<vmem>>, %arg5: memref<8192x128xf32, #tpu.memory_space<vmem>>, %arg6: memref<64x128xf32, #tpu.memory_space<vmem>>, %arg7: memref<512x128xf32, #tpu.memory_space<vmem>>) attributes {dimension_semantics = [#tpu.dimension_semantics<arbitrary>], iteration_bounds = array<i64: 8>, scalar_prefetch = 0 : i64, scratch_operands = 0 : i64, tpu.core_type = #tpu.core_type<tc>, window_params = [{transform_indices = @transform_0, window_bounds = array<i64: 8>}, {transform_indices = @transform_1, window_bounds = array<i64: 8>}, {transform_indices = @transform_2, window_bounds = array<i64: 512, 128>}, {transform_indices = @transform_3, window_bounds = array<i64: 512, 1>}, {pipeline_mode = #tpu.pipeline_mode<synchronous>, transform_indices = @transform_4, window_bounds = array<i64: 8192, 128>}, {pipeline_mode = #tpu.pipeline_mode<synchronous>, transform_indices = @transform_5, window_bounds = array<i64: 64, 128>}, {transform_indices = @transform_6, window_bounds = array<i64: 512, 128>}]} {
    %get3A = arith.index_cast %arg0 : i32 to index
    %get3A_0 = memref.load %arg1[%get3A] : memref<8xi32, #tpu.memory_space<smem>>
    %get3A_1 = arith.index_cast %arg0 : i32 to index
    %get3A_2 = memref.load %arg2[%get3A_1] : memref<8xi32, #tpu.memory_space<smem>>
    %get3A_3 = arith.constant 0 : index
    %get3A_4 = arith.constant 0 : index
    %get3A_5 = vector.load %arg3[%get3A_3, %get3A_4] : memref<512x128xf32, #tpu.memory_space<vmem>>, vector<512x128xf32>
    %get3A_6 = arith.constant 0 : index
    %get3A_7 = arith.constant 0 : index
    %get3A_8 = vector.load %arg4[%get3A_6, %get3A_7] : memref<512x1xi32, #tpu.memory_space<vmem>>, vector<512x1xi32>
    %sub3A = arith.subi %get3A_2, %get3A_0 : i32
    %jit3A = arith.constant 4 : i32
    %div3A = arith.divsi %sub3A, %jit3A : i32
    %sign3A = arith.constant 0 : i32
    %sign3A_9 = arith.cmpi sgt, %sub3A, %sign3A : i32
    %sign3A_10 = arith.extui %sign3A_9 : i1 to i32
    %sign3A_11 = arith.constant 0 : i32
    %sign3A_12 = arith.cmpi slt, %sub3A, %sign3A_11 : i32
    %sign3A_13 = arith.extui %sign3A_12 : i1 to i32
    %sign3A_14 = arith.subi %sign3A_10, %sign3A_13 : i32
    %sign3A_15 = arith.constant 0 : i32
    %sign3A_16 = arith.cmpi sgt, %jit3A, %sign3A_15 : i32
    %sign3A_17 = arith.extui %sign3A_16 : i1 to i32
    %sign3A_18 = arith.constant 0 : i32
    %sign3A_19 = arith.cmpi slt, %jit3A, %sign3A_18 : i32
    %sign3A_20 = arith.extui %sign3A_19 : i1 to i32
    %sign3A_21 = arith.subi %sign3A_17, %sign3A_20 : i32
    %ne3A = arith.cmpi ne, %sign3A_14, %sign3A_21 : i32
    %rem3A = arith.remsi %sub3A, %jit3A : i32
    %ne3A_22 = arith.constant 0 : i32
    %ne3A_23 = arith.cmpi ne, %rem3A, %ne3A_22 : i32
    %and3A = arith.andi %ne3A, %ne3A_23 : i1
    %sub3A_24 = arith.constant 1 : i32
    %sub3A_25 = arith.subi %div3A, %sub3A_24 : i32
    %select_n3A = arith.select %and3A, %sub3A_25, %div3A : i32
    %add3A = arith.constant 1 : i32
    %add3A_26 = arith.addi %select_n3A, %add3A : i32
    %broadcast_in_dim3A = arith.constant 0.000000e+00 : f32
    %broadcast_in_dim3A_27 = vector.broadcast %broadcast_in_dim3A : f32 to vector<512x128xf32>
    %while3A = arith.constant 0 : i32
    %while3A_28 = arith.subi %add3A_26, %while3A : i32
    %while3A_29 = arith.addi %while3A, %while3A_28 : i32
    %while3A_30 = arith.constant 1 : i32
    %while3A_31 = arith.divsi %while3A_28, %while3A_30 : i32
    %while3A_32 = arith.muli %while3A_31, %while3A_30 : i32
    %while3A_33 = arith.addi %while3A, %while3A_32 : i32
    %while3A_34 = arith.constant 1 : i32
    %while3A_35 = scf.for %while3A_47 = %while3A to %while3A_33 step %while3A_34 iter_args(%while3A_48 = %broadcast_in_dim3A_27) -> (vector<512x128xf32>)  : i32 {
      %mul3A = arith.constant 4 : i32
      %mul3A_49 = arith.muli %while3A_47, %mul3A : i32
      %add3A_50 = arith.addi %get3A_0, %mul3A_49 : i32
      %min3A = arith.constant 60 : i32
      %min3A_51 = arith.minsi %add3A_50, %min3A : i32
      %mul3A_52 = arith.constant 128 : i32
      %mul3A_53 = arith.muli %min3A_51, %mul3A_52 : i32
      %get3A_54 = arith.index_cast %mul3A_53 : i32 to index
      %get3A_55 = arith.constant 0 : index
      %get3A_56 = vector.load %arg5[%get3A_54, %get3A_55] : memref<8192x128xf32, #tpu.memory_space<vmem>>, vector<512x128xf32>
      %dot_general3A_57 = arith.constant dense<0.000000e+00> : vector<512x512xf32>
      %dot_general3A_58 = tpu.matmul %get3A_5, %get3A_56, %dot_general3A_57 {dimension_numbers = #tpu.dot_dimension_numbers<[1], [1], [0], [0], [0, 0, 1, 0], [], []>, transpose_lhs_hint = false} : vector<512x128xf32>, vector<512x128xf32>, vector<512x512xf32> -> vector<512x512xf32>
      %add3A_59 = arith.constant 0 : i32
      %add3A_60 = arith.addi %min3A_51, %add3A_59 : i32
      %eq3A_61 = vector.broadcast %add3A_60 : i32 to vector<512x1xi32>
      %eq3A_62 = arith.cmpi eq, %get3A_8, %eq3A_61 : vector<512x1xi32>
      %ge3A = arith.cmpi sge, %add3A_60, %add3A_50 : i32
      %and3A_63 = vector.broadcast %ge3A : i1 to vector<512x1xi1>
      %and3A_64 = arith.andi %eq3A_62, %and3A_63 : vector<512x1xi1>
      %slice3A = vector.extract_strided_slice %dot_general3A_58 {offsets = [0, 0], sizes = [512, 128], strides = [1, 1]} : vector<512x512xf32> to vector<512x128xf32>
      %jit3A_65 = arith.constant 0.000000e+00 : f32
      %broadcast_in_dim3A_66 = vector.shape_cast %and3A_64 : vector<512x1xi1> to vector<512x1xi1>
      %broadcast_in_dim3A_67 = vector.broadcast %broadcast_in_dim3A_66 : vector<512x1xi1> to vector<512x128xi1>
      %broadcast_in_dim3A_68 = vector.broadcast %jit3A_65 : f32 to vector<512x128xf32>
      %select_n3A_69 = arith.select %broadcast_in_dim3A_67, %slice3A, %broadcast_in_dim3A_68 : vector<512x128xi1>, vector<512x128xf32>
      %add3A_70 = arith.addf %while3A_48, %select_n3A_69 : vector<512x128xf32>
      %add3A_71 = arith.constant 1 : i32
      %add3A_72 = arith.addi %min3A_51, %add3A_71 : i32
      %eq3A_73 = vector.broadcast %add3A_72 : i32 to vector<512x1xi32>
      %eq3A_74 = arith.cmpi eq, %get3A_8, %eq3A_73 : vector<512x1xi32>
      %ge3A_75 = arith.cmpi sge, %add3A_72, %add3A_50 : i32
      %and3A_76 = vector.broadcast %ge3A_75 : i1 to vector<512x1xi1>
      %and3A_77 = arith.andi %eq3A_74, %and3A_76 : vector<512x1xi1>
      %slice3A_78 = vector.extract_strided_slice %dot_general3A_58 {offsets = [0, 128], sizes = [512, 128], strides = [1, 1]} : vector<512x512xf32> to vector<512x128xf32>
      %jit3A_79 = arith.constant 0.000000e+00 : f32
      %broadcast_in_dim3A_80 = vector.shape_cast %and3A_77 : vector<512x1xi1> to vector<512x1xi1>
      %broadcast_in_dim3A_81 = vector.broadcast %broadcast_in_dim3A_80 : vector<512x1xi1> to vector<512x128xi1>
      %broadcast_in_dim3A_82 = vector.broadcast %jit3A_79 : f32 to vector<512x128xf32>
      %select_n3A_83 = arith.select %broadcast_in_dim3A_81, %slice3A_78, %broadcast_in_dim3A_82 : vector<512x128xi1>, vector<512x128xf32>
      %add3A_84 = arith.addf %add3A_70, %select_n3A_83 : vector<512x128xf32>
      %add3A_85 = arith.constant 2 : i32
      %add3A_86 = arith.addi %min3A_51, %add3A_85 : i32
      %eq3A_87 = vector.broadcast %add3A_86 : i32 to vector<512x1xi32>
      %eq3A_88 = arith.cmpi eq, %get3A_8, %eq3A_87 : vector<512x1xi32>
      %ge3A_89 = arith.cmpi sge, %add3A_86, %add3A_50 : i32
      %and3A_90 = vector.broadcast %ge3A_89 : i1 to vector<512x1xi1>
      %and3A_91 = arith.andi %eq3A_88, %and3A_90 : vector<512x1xi1>
      %slice3A_92 = vector.extract_strided_slice %dot_general3A_58 {offsets = [0, 256], sizes = [512, 128], strides = [1, 1]} : vector<512x512xf32> to vector<512x128xf32>
      %jit3A_93 = arith.constant 0.000000e+00 : f32
      %broadcast_in_dim3A_94 = vector.shape_cast %and3A_91 : vector<512x1xi1> to vector<512x1xi1>
      %broadcast_in_dim3A_95 = vector.broadcast %broadcast_in_dim3A_94 : vector<512x1xi1> to vector<512x128xi1>
      %broadcast_in_dim3A_96 = vector.broadcast %jit3A_93 : f32 to vector<512x128xf32>
      %select_n3A_97 = arith.select %broadcast_in_dim3A_95, %slice3A_92, %broadcast_in_dim3A_96 : vector<512x128xi1>, vector<512x128xf32>
      %add3A_98 = arith.addf %add3A_84, %select_n3A_97 : vector<512x128xf32>
      %add3A_99 = arith.constant 3 : i32
      %add3A_100 = arith.addi %min3A_51, %add3A_99 : i32
      %eq3A_101 = vector.broadcast %add3A_100 : i32 to vector<512x1xi32>
      %eq3A_102 = arith.cmpi eq, %get3A_8, %eq3A_101 : vector<512x1xi32>
      %ge3A_103 = arith.cmpi sge, %add3A_100, %add3A_50 : i32
      %and3A_104 = vector.broadcast %ge3A_103 : i1 to vector<512x1xi1>
      %and3A_105 = arith.andi %eq3A_102, %and3A_104 : vector<512x1xi1>
      %slice3A_106 = vector.extract_strided_slice %dot_general3A_58 {offsets = [0, 384], sizes = [512, 128], strides = [1, 1]} : vector<512x512xf32> to vector<512x128xf32>
      %jit3A_107 = arith.constant 0.000000e+00 : f32
      %broadcast_in_dim3A_108 = vector.shape_cast %and3A_105 : vector<512x1xi1> to vector<512x1xi1>
      %broadcast_in_dim3A_109 = vector.broadcast %broadcast_in_dim3A_108 : vector<512x1xi1> to vector<512x128xi1>
      %broadcast_in_dim3A_110 = vector.broadcast %jit3A_107 : f32 to vector<512x128xf32>
      %select_n3A_111 = arith.select %broadcast_in_dim3A_109, %slice3A_106, %broadcast_in_dim3A_110 : vector<512x128xi1>, vector<512x128xf32>
      %add3A_112 = arith.addf %add3A_98, %select_n3A_111 : vector<512x128xf32>
      scf.yield %add3A_112 : vector<512x128xf32>
    }
    %while3A_36 = arith.constant 1 : i32
    %while3A_37 = scf.for %while3A_47 = %while3A_33 to %while3A_29 step %while3A_36 iter_args(%while3A_48 = %while3A_35) -> (vector<512x128xf32>)  : i32 {
      %mul3A = arith.constant 4 : i32
      %mul3A_49 = arith.muli %while3A_47, %mul3A : i32
      %add3A_50 = arith.addi %get3A_0, %mul3A_49 : i32
      %min3A = arith.constant 60 : i32
      %min3A_51 = arith.minsi %add3A_50, %min3A : i32
      %mul3A_52 = arith.constant 128 : i32
      %mul3A_53 = arith.muli %min3A_51, %mul3A_52 : i32
      %get3A_54 = arith.index_cast %mul3A_53 : i32 to index
      %get3A_55 = arith.constant 0 : index
      %get3A_56 = vector.load %arg5[%get3A_54, %get3A_55] : memref<8192x128xf32, #tpu.memory_space<vmem>>, vector<512x128xf32>
      %dot_general3A_57 = arith.constant dense<0.000000e+00> : vector<512x512xf32>
      %dot_general3A_58 = tpu.matmul %get3A_5, %get3A_56, %dot_general3A_57 {dimension_numbers = #tpu.dot_dimension_numbers<[1], [1], [0], [0], [0, 0, 1, 0], [], []>, transpose_lhs_hint = false} : vector<512x128xf32>, vector<512x128xf32>, vector<512x512xf32> -> vector<512x512xf32>
      %add3A_59 = arith.constant 0 : i32
      %add3A_60 = arith.addi %min3A_51, %add3A_59 : i32
      %eq3A_61 = vector.broadcast %add3A_60 : i32 to vector<512x1xi32>
      %eq3A_62 = arith.cmpi eq, %get3A_8, %eq3A_61 : vector<512x1xi32>
      %ge3A = arith.cmpi sge, %add3A_60, %add3A_50 : i32
      %and3A_63 = vector.broadcast %ge3A : i1 to vector<512x1xi1>
      %and3A_64 = arith.andi %eq3A_62, %and3A_63 : vector<512x1xi1>
      %slice3A = vector.extract_strided_slice %dot_general3A_58 {offsets = [0, 0], sizes = [512, 128], strides = [1, 1]} : vector<512x512xf32> to vector<512x128xf32>
      %jit3A_65 = arith.constant 0.000000e+00 : f32
      %broadcast_in_dim3A_66 = vector.shape_cast %and3A_64 : vector<512x1xi1> to vector<512x1xi1>
      %broadcast_in_dim3A_67 = vector.broadcast %broadcast_in_dim3A_66 : vector<512x1xi1> to vector<512x128xi1>
      %broadcast_in_dim3A_68 = vector.broadcast %jit3A_65 : f32 to vector<512x128xf32>
      %select_n3A_69 = arith.select %broadcast_in_dim3A_67, %slice3A, %broadcast_in_dim3A_68 : vector<512x128xi1>, vector<512x128xf32>
      %add3A_70 = arith.addf %while3A_48, %select_n3A_69 : vector<512x128xf32>
      %add3A_71 = arith.constant 1 : i32
      %add3A_72 = arith.addi %min3A_51, %add3A_71 : i32
      %eq3A_73 = vector.broadcast %add3A_72 : i32 to vector<512x1xi32>
      %eq3A_74 = arith.cmpi eq, %get3A_8, %eq3A_73 : vector<512x1xi32>
      %ge3A_75 = arith.cmpi sge, %add3A_72, %add3A_50 : i32
      %and3A_76 = vector.broadcast %ge3A_75 : i1 to vector<512x1xi1>
      %and3A_77 = arith.andi %eq3A_74, %and3A_76 : vector<512x1xi1>
      %slice3A_78 = vector.extract_strided_slice %dot_general3A_58 {offsets = [0, 128], sizes = [512, 128], strides = [1, 1]} : vector<512x512xf32> to vector<512x128xf32>
      %jit3A_79 = arith.constant 0.000000e+00 : f32
      %broadcast_in_dim3A_80 = vector.shape_cast %and3A_77 : vector<512x1xi1> to vector<512x1xi1>
      %broadcast_in_dim3A_81 = vector.broadcast %broadcast_in_dim3A_80 : vector<512x1xi1> to vector<512x128xi1>
      %broadcast_in_dim3A_82 = vector.broadcast %jit3A_79 : f32 to vector<512x128xf32>
      %select_n3A_83 = arith.select %broadcast_in_dim3A_81, %slice3A_78, %broadcast_in_dim3A_82 : vector<512x128xi1>, vector<512x128xf32>
      %add3A_84 = arith.addf %add3A_70, %select_n3A_83 : vector<512x128xf32>
      %add3A_85 = arith.constant 2 : i32
      %add3A_86 = arith.addi %min3A_51, %add3A_85 : i32
      %eq3A_87 = vector.broadcast %add3A_86 : i32 to vector<512x1xi32>
      %eq3A_88 = arith.cmpi eq, %get3A_8, %eq3A_87 : vector<512x1xi32>
      %ge3A_89 = arith.cmpi sge, %add3A_86, %add3A_50 : i32
      %and3A_90 = vector.broadcast %ge3A_89 : i1 to vector<512x1xi1>
      %and3A_91 = arith.andi %eq3A_88, %and3A_90 : vector<512x1xi1>
      %slice3A_92 = vector.extract_strided_slice %dot_general3A_58 {offsets = [0, 256], sizes = [512, 128], strides = [1, 1]} : vector<512x512xf32> to vector<512x128xf32>
      %jit3A_93 = arith.constant 0.000000e+00 : f32
      %broadcast_in_dim3A_94 = vector.shape_cast %and3A_91 : vector<512x1xi1> to vector<512x1xi1>
      %broadcast_in_dim3A_95 = vector.broadcast %broadcast_in_dim3A_94 : vector<512x1xi1> to vector<512x128xi1>
      %broadcast_in_dim3A_96 = vector.broadcast %jit3A_93 : f32 to vector<512x128xf32>
      %select_n3A_97 = arith.select %broadcast_in_dim3A_95, %slice3A_92, %broadcast_in_dim3A_96 : vector<512x128xi1>, vector<512x128xf32>
      %add3A_98 = arith.addf %add3A_84, %select_n3A_97 : vector<512x128xf32>
      %add3A_99 = arith.constant 3 : i32
      %add3A_100 = arith.addi %min3A_51, %add3A_99 : i32
      %eq3A_101 = vector.broadcast %add3A_100 : i32 to vector<512x1xi32>
      %eq3A_102 = arith.cmpi eq, %get3A_8, %eq3A_101 : vector<512x1xi32>
      %ge3A_103 = arith.cmpi sge, %add3A_100, %add3A_50 : i32
      %and3A_104 = vector.broadcast %ge3A_103 : i1 to vector<512x1xi1>
      %and3A_105 = arith.andi %eq3A_102, %and3A_104 : vector<512x1xi1>
      %slice3A_106 = vector.extract_strided_slice %dot_general3A_58 {offsets = [0, 384], sizes = [512, 128], strides = [1, 1]} : vector<512x512xf32> to vector<512x128xf32>
      %jit3A_107 = arith.constant 0.000000e+00 : f32
      %broadcast_in_dim3A_108 = vector.shape_cast %and3A_105 : vector<512x1xi1> to vector<512x1xi1>
      %broadcast_in_dim3A_109 = vector.broadcast %broadcast_in_dim3A_108 : vector<512x1xi1> to vector<512x128xi1>
      %broadcast_in_dim3A_110 = vector.broadcast %jit3A_107 : f32 to vector<512x128xf32>
      %select_n3A_111 = arith.select %broadcast_in_dim3A_109, %slice3A_106, %broadcast_in_dim3A_110 : vector<512x128xi1>, vector<512x128xf32>
      %add3A_112 = arith.addf %add3A_98, %select_n3A_111 : vector<512x128xf32>
      scf.yield %add3A_112 : vector<512x128xf32>
    }
    %iota3A = tpu.iota {dimensions = array<i32: 1>} : vector<512x64xi32>
    %eq3A = vector.broadcast %get3A_8 : vector<512x1xi32> to vector<512x64xi32>
    %eq3A_38 = arith.cmpi eq, %iota3A, %eq3A : vector<512x64xi32>
    %convert_element_type3A = arith.extui %eq3A_38 : vector<512x64xi1> to vector<512x64xi32>
    %convert_element_type3A_39 = arith.sitofp %convert_element_type3A : vector<512x64xi32> to vector<512x64xf32>
    %get3A_40 = arith.constant 0 : index
    %get3A_41 = arith.constant 0 : index
    %get3A_42 = vector.load %arg6[%get3A_40, %get3A_41] : memref<64x128xf32, #tpu.memory_space<vmem>>, vector<64x128xf32>
    %dot_general3A = arith.constant dense<0.000000e+00> : vector<512x128xf32>
    %dot_general3A_43 = tpu.matmul %convert_element_type3A_39, %get3A_42, %dot_general3A {dimension_numbers = #tpu.dot_dimension_numbers<[1], [0], [0], [1], [0, 0, 1, 1], [], []>, transpose_lhs_hint = false} : vector<512x64xf32>, vector<64x128xf32>, vector<512x128xf32> -> vector<512x128xf32>
    %add3A_44 = arith.addf %while3A_37, %dot_general3A_43 : vector<512x128xf32>
    %swap3A = arith.constant 0 : index
    %swap3A_45 = arith.constant 0 : index
    %swap3A_46 = vector.load %arg7[%swap3A, %swap3A_45] : memref<512x128xf32, #tpu.memory_space<vmem>>, vector<512x128xf32>
    tpu.vector_store %arg7[%swap3A, %swap3A_45], %add3A_44 {strides = array<i32>} : memref<512x128xf32, #tpu.memory_space<vmem>>, vector<512x128xf32>,
    return
  }
  func.func @transform_0(%arg0: i32) -> i32 {
    %c0_i32 = arith.constant 0 : i32
    %c0_i32_0 = arith.constant 0 : i32
    return %c0_i32 : i32
  }
  func.func @transform_1(%arg0: i32) -> i32 {
    %c0_i32 = arith.constant 0 : i32
    %c0_i32_0 = arith.constant 0 : i32
    return %c0_i32 : i32
  }
  func.func @transform_2(%arg0: i32) -> (i32, i32) {
    %c0_i32 = arith.constant 0 : i32
    %c0_i32_0 = arith.constant 0 : i32
    return %arg0, %c0_i32 : i32, i32
  }
  func.func @transform_3(%arg0: i32) -> (i32, i32) {
    %c0_i32 = arith.constant 0 : i32
    %c0_i32_0 = arith.constant 0 : i32
    return %arg0, %c0_i32 : i32, i32
  }
  func.func @transform_4(%arg0: i32) -> (i32, i32) {
    %c0_i32 = arith.constant 0 : i32
    %c0_i32_0 = arith.constant 0 : i32
    %c0_i32_1 = arith.constant 0 : i32
    return %c0_i32, %c0_i32_0 : i32, i32
  }
  func.func @transform_5(%arg0: i32) -> (i32, i32) {
    %c0_i32 = arith.constant 0 : i32
    %c0_i32_0 = arith.constant 0 : i32
    %c0_i32_1 = arith.constant 0 : i32
    return %c0_i32, %c0_i32_0 : i32, i32
  }
  func.func @transform_6(%arg0: i32) -> (i32, i32) {
    %c0_i32 = arith.constant 0 : i32
    %c0_i32_0 = arith.constant 0 : i32
    return %arg0, %c0_i32 : i32, i32
  }
}

module attributes {stable_mosaic.version = 14 : i64} {
  func.func @_route_kernel(%arg0: i32, %arg1: memref<4096x128xf32, #tpu.memory_space<vmem>>, %arg2: memref<64x128xf32, #tpu.memory_space<vmem>>, %arg3: memref<1x64xf32, #tpu.memory_space<vmem>>, %arg4: memref<4096xi32, #tpu.memory_space<vmem>>, %arg5: memref<4096x1xi32, #tpu.memory_space<vmem>>, %arg6: memref<8xi32, #tpu.memory_space<vmem>>, %arg7: memref<8xi32, #tpu.memory_space<vmem>>) attributes {dimension_semantics = [#tpu.dimension_semantics<arbitrary>], iteration_bounds = array<i64: 1>, scalar_prefetch = 0 : i64, scratch_operands = 0 : i64, tpu.core_type = #tpu.core_type<tc>, window_params = [{pipeline_mode = #tpu.pipeline_mode<synchronous>, transform_indices = @transform_0, window_bounds = array<i64: 4096, 128>}, {pipeline_mode = #tpu.pipeline_mode<synchronous>, transform_indices = @transform_1, window_bounds = array<i64: 64, 128>}, {pipeline_mode = #tpu.pipeline_mode<synchronous>, transform_indices = @transform_2, window_bounds = array<i64: 1, 64>}, {pipeline_mode = #tpu.pipeline_mode<synchronous>, transform_indices = @transform_3, window_bounds = array<i64: 4096>}, {pipeline_mode = #tpu.pipeline_mode<synchronous>, transform_indices = @transform_4, window_bounds = array<i64: 4096, 1>}, {pipeline_mode = #tpu.pipeline_mode<synchronous>, transform_indices = @transform_5, window_bounds = array<i64: 8>}, {pipeline_mode = #tpu.pipeline_mode<synchronous>, transform_indices = @transform_6, window_bounds = array<i64: 8>}]} {
    %iota3A = tpu.iota {dimensions = array<i32: 0>} : vector<512x512xi32>
    %iota3A_0 = tpu.iota {dimensions = array<i32: 1>} : vector<512x512xi32>
    %lt3A = arith.cmpi slt, %iota3A_0, %iota3A : vector<512x512xi32>
    %convert_element_type3A = arith.extui %lt3A : vector<512x512xi1> to vector<512x512xi32>
    %convert_element_type3A_1 = arith.sitofp %convert_element_type3A : vector<512x512xi32> to vector<512x512xf32>
    %convert_element_type3A_2 = arith.truncf %convert_element_type3A_1 : vector<512x512xf32> to vector<512x512xbf16>
    %iota3A_3 = tpu.iota {dimensions = array<i32: 0>} : vector<64x64xi32>
    %iota3A_4 = tpu.iota {dimensions = array<i32: 1>} : vector<64x64xi32>
    %le3A = arith.cmpi sle, %iota3A_3, %iota3A_4 : vector<64x64xi32>
    %convert_element_type3A_5 = arith.extui %le3A : vector<64x64xi1> to vector<64x64xi32>
    %convert_element_type3A_6 = arith.sitofp %convert_element_type3A_5 : vector<64x64xi32> to vector<64x64xf32>
    %get3A = arith.constant 0 : index
    %get3A_7 = arith.constant 0 : index
    %get3A_8 = vector.load %arg1[%get3A, %get3A_7] : memref<4096x128xf32, #tpu.memory_space<vmem>>, vector<4096x128xf32>
    %get3A_9 = arith.constant 0 : index
    %get3A_10 = arith.constant 0 : index
    %get3A_11 = vector.load %arg2[%get3A_9, %get3A_10] : memref<64x128xf32, #tpu.memory_space<vmem>>, vector<64x128xf32>
    %dot_general3A = arith.constant dense<0.000000e+00> : vector<4096x64xf32>
    %dot_general3A_12 = tpu.matmul %get3A_8, %get3A_11, %dot_general3A {dimension_numbers = #tpu.dot_dimension_numbers<[1], [1], [0], [0], [0, 0, 1, 0], [], []>, transpose_lhs_hint = false} : vector<4096x128xf32>, vector<64x128xf32>, vector<4096x64xf32> -> vector<4096x64xf32>
    %get3A_13 = arith.constant 0 : index
    %get3A_14 = arith.constant 0 : index
    %get3A_15 = vector.load %arg3[%get3A_13, %get3A_14] : memref<1x64xf32, #tpu.memory_space<vmem>>, vector<1x64xf32>
    %add3A = vector.broadcast %get3A_15 : vector<1x64xf32> to vector<4096x64xf32>
    %add3A_16 = arith.addf %dot_general3A_12, %add3A : vector<4096x64xf32>
    %reduce_max3A = arith.constant dense<0xFF800000> : vector<4096xf32>
    %reduce_max3A_17 = vector.multi_reduction <maximumf>, %add3A_16, %reduce_max3A [1] : vector<4096x64xf32> to vector<4096xf32>
    %broadcast_in_dim3A = vector.shape_cast %reduce_max3A_17 : vector<4096xf32> to vector<4096x1xf32>
    %iota3A_18 = tpu.iota {dimensions = array<i32: 1>} : vector<4096x64xi32>
    %eq3A = vector.broadcast %broadcast_in_dim3A : vector<4096x1xf32> to vector<4096x64xf32>
    %eq3A_19 = arith.cmpf oeq, %add3A_16, %eq3A : vector<4096x64xf32>
    %jit3A = arith.constant 64 : i32
    %broadcast_in_dim3A_20 = vector.broadcast %jit3A : i32 to vector<4096x64xi32>
    %select_n3A = arith.select %eq3A_19, %iota3A_18, %broadcast_in_dim3A_20 : vector<4096x64xi1>, vector<4096x64xi32>
    %reduce_min3A = arith.constant dense<2147483647> : vector<4096xi32>
    %reduce_min3A_21 = vector.multi_reduction <minsi>, %select_n3A, %reduce_min3A [1] : vector<4096x64xi32> to vector<4096xi32>
    %broadcast_in_dim3A_22 = vector.shape_cast %reduce_min3A_21 : vector<4096xi32> to vector<4096x1xi32>
    %eq3A_23 = vector.broadcast %broadcast_in_dim3A_22 : vector<4096x1xi32> to vector<4096x64xi32>
    %eq3A_24 = arith.cmpi eq, %iota3A_18, %eq3A_23 : vector<4096x64xi32>
    %convert_element_type3A_25 = arith.extui %eq3A_24 : vector<4096x64xi1> to vector<4096x64xi32>
    %convert_element_type3A_26 = arith.sitofp %convert_element_type3A_25 : vector<4096x64xi32> to vector<4096x64xf32>
    %reduce_sum3A = arith.constant dense<0.000000e+00> : vector<64xf32>
    %reduce_sum3A_27 = vector.multi_reduction <add>, %convert_element_type3A_26, %reduce_sum3A [0] : vector<4096x64xf32> to vector<64xf32>
    %broadcast_in_dim3A_28 = vector.shape_cast %reduce_sum3A_27 : vector<64xf32> to vector<1x64xf32>
    %dot_general3A_29 = arith.constant dense<0.000000e+00> : vector<1x64xf32>
    %dot_general3A_30 = tpu.matmul %broadcast_in_dim3A_28, %convert_element_type3A_6, %dot_general3A_29 {dimension_numbers = #tpu.dot_dimension_numbers<[1], [0], [0], [1], [0, 0, 1, 1], [], []>, precision = #tpu.contract_precision<fp32>, transpose_lhs_hint = false} : vector<1x64xf32>, vector<64x64xf32>, vector<1x64xf32> -> vector<1x64xf32>
    %sub3A = arith.subf %dot_general3A_30, %broadcast_in_dim3A_28 : vector<1x64xf32>
    %convert_element_type3A_31 = arith.truncf %convert_element_type3A_26 : vector<4096x64xf32> to vector<4096x64xbf16>
    %slice3A = vector.extract_strided_slice %convert_element_type3A_31 {offsets = [0, 0], sizes = [512, 64], strides = [1, 1]} : vector<4096x64xbf16> to vector<512x64xbf16>
    %dot_general3A_32 = arith.constant dense<0.000000e+00> : vector<512x64xf32>
    %dot_general3A_33 = tpu.matmul %convert_element_type3A_2, %slice3A, %dot_general3A_32 {dimension_numbers = #tpu.dot_dimension_numbers<[1], [0], [0], [1], [0, 0, 1, 1], [], []>, transpose_lhs_hint = false} : vector<512x512xbf16>, vector<512x64xbf16>, vector<512x64xf32> -> vector<512x64xf32>
    %add3A_34 = vector.broadcast %sub3A : vector<1x64xf32> to vector<512x64xf32>
    %add3A_35 = arith.addf %dot_general3A_33, %add3A_34 : vector<512x64xf32>
    %slice3A_36 = vector.extract_strided_slice %convert_element_type3A_26 {offsets = [0, 0], sizes = [512, 64], strides = [1, 1]} : vector<4096x64xf32> to vector<512x64xf32>
    %mul3A = arith.mulf %add3A_35, %slice3A_36 : vector<512x64xf32>
    %reduce_sum3A_37 = arith.constant dense<0.000000e+00> : vector<512xf32>
    %reduce_sum3A_38 = vector.multi_reduction <add>, %mul3A, %reduce_sum3A_37 [1] : vector<512x64xf32> to vector<512xf32>
    %broadcast_in_dim3A_39 = vector.shape_cast %reduce_sum3A_38 : vector<512xf32> to vector<512x1xf32>
    %slice3A_40 = vector.extract_strided_slice %add3A_35 {offsets = [511, 0], sizes = [1, 64], strides = [1, 1]} : vector<512x64xf32> to vector<1x64xf32>
    %slice3A_41 = vector.extract_strided_slice %slice3A {offsets = [511, 0], sizes = [1, 64], strides = [1, 1]} : vector<512x64xbf16> to vector<1x64xbf16>
    %convert_element_type3A_42 = arith.extf %slice3A_41 : vector<1x64xbf16> to vector<1x64xf32>
    %add3A_43 = arith.addf %slice3A_40, %convert_element_type3A_42 : vector<1x64xf32>
    %slice3A_44 = vector.extract_strided_slice %convert_element_type3A_31 {offsets = [512, 0], sizes = [512, 64], strides = [1, 1]} : vector<4096x64xbf16> to vector<512x64xbf16>
    %dot_general3A_45 = arith.constant dense<0.000000e+00> : vector<512x64xf32>
    %dot_general3A_46 = tpu.matmul %convert_element_type3A_2, %slice3A_44, %dot_general3A_45 {dimension_numbers = #tpu.dot_dimension_numbers<[1], [0], [0], [1], [0, 0, 1, 1], [], []>, transpose_lhs_hint = false} : vector<512x512xbf16>, vector<512x64xbf16>, vector<512x64xf32> -> vector<512x64xf32>
    %add3A_47 = vector.broadcast %add3A_43 : vector<1x64xf32> to vector<512x64xf32>
    %add3A_48 = arith.addf %dot_general3A_46, %add3A_47 : vector<512x64xf32>
    %slice3A_49 = vector.extract_strided_slice %convert_element_type3A_26 {offsets = [512, 0], sizes = [512, 64], strides = [1, 1]} : vector<4096x64xf32> to vector<512x64xf32>
    %mul3A_50 = arith.mulf %add3A_48, %slice3A_49 : vector<512x64xf32>
    %reduce_sum3A_51 = arith.constant dense<0.000000e+00> : vector<512xf32>
    %reduce_sum3A_52 = vector.multi_reduction <add>, %mul3A_50, %reduce_sum3A_51 [1] : vector<512x64xf32> to vector<512xf32>
    %broadcast_in_dim3A_53 = vector.shape_cast %reduce_sum3A_52 : vector<512xf32> to vector<512x1xf32>
    %slice3A_54 = vector.extract_strided_slice %add3A_48 {offsets = [511, 0], sizes = [1, 64], strides = [1, 1]} : vector<512x64xf32> to vector<1x64xf32>
    %slice3A_55 = vector.extract_strided_slice %slice3A_44 {offsets = [511, 0], sizes = [1, 64], strides = [1, 1]} : vector<512x64xbf16> to vector<1x64xbf16>
    %convert_element_type3A_56 = arith.extf %slice3A_55 : vector<1x64xbf16> to vector<1x64xf32>
    %add3A_57 = arith.addf %slice3A_54, %convert_element_type3A_56 : vector<1x64xf32>
    %slice3A_58 = vector.extract_strided_slice %convert_element_type3A_31 {offsets = [1024, 0], sizes = [512, 64], strides = [1, 1]} : vector<4096x64xbf16> to vector<512x64xbf16>
    %dot_general3A_59 = arith.constant dense<0.000000e+00> : vector<512x64xf32>
    %dot_general3A_60 = tpu.matmul %convert_element_type3A_2, %slice3A_58, %dot_general3A_59 {dimension_numbers = #tpu.dot_dimension_numbers<[1], [0], [0], [1], [0, 0, 1, 1], [], []>, transpose_lhs_hint = false} : vector<512x512xbf16>, vector<512x64xbf16>, vector<512x64xf32> -> vector<512x64xf32>
    %add3A_61 = vector.broadcast %add3A_57 : vector<1x64xf32> to vector<512x64xf32>
    %add3A_62 = arith.addf %dot_general3A_60, %add3A_61 : vector<512x64xf32>
    %slice3A_63 = vector.extract_strided_slice %convert_element_type3A_26 {offsets = [1024, 0], sizes = [512, 64], strides = [1, 1]} : vector<4096x64xf32> to vector<512x64xf32>
    %mul3A_64 = arith.mulf %add3A_62, %slice3A_63 : vector<512x64xf32>
    %reduce_sum3A_65 = arith.constant dense<0.000000e+00> : vector<512xf32>
    %reduce_sum3A_66 = vector.multi_reduction <add>, %mul3A_64, %reduce_sum3A_65 [1] : vector<512x64xf32> to vector<512xf32>
    %broadcast_in_dim3A_67 = vector.shape_cast %reduce_sum3A_66 : vector<512xf32> to vector<512x1xf32>
    %slice3A_68 = vector.extract_strided_slice %add3A_62 {offsets = [511, 0], sizes = [1, 64], strides = [1, 1]} : vector<512x64xf32> to vector<1x64xf32>
    %slice3A_69 = vector.extract_strided_slice %slice3A_58 {offsets = [511, 0], sizes = [1, 64], strides = [1, 1]} : vector<512x64xbf16> to vector<1x64xbf16>
    %convert_element_type3A_70 = arith.extf %slice3A_69 : vector<1x64xbf16> to vector<1x64xf32>
    %add3A_71 = arith.addf %slice3A_68, %convert_element_type3A_70 : vector<1x64xf32>
    %slice3A_72 = vector.extract_strided_slice %convert_element_type3A_31 {offsets = [1536, 0], sizes = [512, 64], strides = [1, 1]} : vector<4096x64xbf16> to vector<512x64xbf16>
    %dot_general3A_73 = arith.constant dense<0.000000e+00> : vector<512x64xf32>
    %dot_general3A_74 = tpu.matmul %convert_element_type3A_2, %slice3A_72, %dot_general3A_73 {dimension_numbers = #tpu.dot_dimension_numbers<[1], [0], [0], [1], [0, 0, 1, 1], [], []>, transpose_lhs_hint = false} : vector<512x512xbf16>, vector<512x64xbf16>, vector<512x64xf32> -> vector<512x64xf32>
    %add3A_75 = vector.broadcast %add3A_71 : vector<1x64xf32> to vector<512x64xf32>
    %add3A_76 = arith.addf %dot_general3A_74, %add3A_75 : vector<512x64xf32>
    %slice3A_77 = vector.extract_strided_slice %convert_element_type3A_26 {offsets = [1536, 0], sizes = [512, 64], strides = [1, 1]} : vector<4096x64xf32> to vector<512x64xf32>
    %mul3A_78 = arith.mulf %add3A_76, %slice3A_77 : vector<512x64xf32>
    %reduce_sum3A_79 = arith.constant dense<0.000000e+00> : vector<512xf32>
    %reduce_sum3A_80 = vector.multi_reduction <add>, %mul3A_78, %reduce_sum3A_79 [1] : vector<512x64xf32> to vector<512xf32>
    %broadcast_in_dim3A_81 = vector.shape_cast %reduce_sum3A_80 : vector<512xf32> to vector<512x1xf32>
    %slice3A_82 = vector.extract_strided_slice %add3A_76 {offsets = [511, 0], sizes = [1, 64], strides = [1, 1]} : vector<512x64xf32> to vector<1x64xf32>
    %slice3A_83 = vector.extract_strided_slice %slice3A_72 {offsets = [511, 0], sizes = [1, 64], strides = [1, 1]} : vector<512x64xbf16> to vector<1x64xbf16>
    %convert_element_type3A_84 = arith.extf %slice3A_83 : vector<1x64xbf16> to vector<1x64xf32>
    %add3A_85 = arith.addf %slice3A_82, %convert_element_type3A_84 : vector<1x64xf32>
    %slice3A_86 = vector.extract_strided_slice %convert_element_type3A_31 {offsets = [2048, 0], sizes = [512, 64], strides = [1, 1]} : vector<4096x64xbf16> to vector<512x64xbf16>
    %dot_general3A_87 = arith.constant dense<0.000000e+00> : vector<512x64xf32>
    %dot_general3A_88 = tpu.matmul %convert_element_type3A_2, %slice3A_86, %dot_general3A_87 {dimension_numbers = #tpu.dot_dimension_numbers<[1], [0], [0], [1], [0, 0, 1, 1], [], []>, transpose_lhs_hint = false} : vector<512x512xbf16>, vector<512x64xbf16>, vector<512x64xf32> -> vector<512x64xf32>
    %add3A_89 = vector.broadcast %add3A_85 : vector<1x64xf32> to vector<512x64xf32>
    %add3A_90 = arith.addf %dot_general3A_88, %add3A_89 : vector<512x64xf32>
    %slice3A_91 = vector.extract_strided_slice %convert_element_type3A_26 {offsets = [2048, 0], sizes = [512, 64], strides = [1, 1]} : vector<4096x64xf32> to vector<512x64xf32>
    %mul3A_92 = arith.mulf %add3A_90, %slice3A_91 : vector<512x64xf32>
    %reduce_sum3A_93 = arith.constant dense<0.000000e+00> : vector<512xf32>
    %reduce_sum3A_94 = vector.multi_reduction <add>, %mul3A_92, %reduce_sum3A_93 [1] : vector<512x64xf32> to vector<512xf32>
    %broadcast_in_dim3A_95 = vector.shape_cast %reduce_sum3A_94 : vector<512xf32> to vector<512x1xf32>
    %slice3A_96 = vector.extract_strided_slice %add3A_90 {offsets = [511, 0], sizes = [1, 64], strides = [1, 1]} : vector<512x64xf32> to vector<1x64xf32>
    %slice3A_97 = vector.extract_strided_slice %slice3A_86 {offsets = [511, 0], sizes = [1, 64], strides = [1, 1]} : vector<512x64xbf16> to vector<1x64xbf16>
    %convert_element_type3A_98 = arith.extf %slice3A_97 : vector<1x64xbf16> to vector<1x64xf32>
    %add3A_99 = arith.addf %slice3A_96, %convert_element_type3A_98 : vector<1x64xf32>
    %slice3A_100 = vector.extract_strided_slice %convert_element_type3A_31 {offsets = [2560, 0], sizes = [512, 64], strides = [1, 1]} : vector<4096x64xbf16> to vector<512x64xbf16>
    %dot_general3A_101 = arith.constant dense<0.000000e+00> : vector<512x64xf32>
    %dot_general3A_102 = tpu.matmul %convert_element_type3A_2, %slice3A_100, %dot_general3A_101 {dimension_numbers = #tpu.dot_dimension_numbers<[1], [0], [0], [1], [0, 0, 1, 1], [], []>, transpose_lhs_hint = false} : vector<512x512xbf16>, vector<512x64xbf16>, vector<512x64xf32> -> vector<512x64xf32>
    %add3A_103 = vector.broadcast %add3A_99 : vector<1x64xf32> to vector<512x64xf32>
    %add3A_104 = arith.addf %dot_general3A_102, %add3A_103 : vector<512x64xf32>
    %slice3A_105 = vector.extract_strided_slice %convert_element_type3A_26 {offsets = [2560, 0], sizes = [512, 64], strides = [1, 1]} : vector<4096x64xf32> to vector<512x64xf32>
    %mul3A_106 = arith.mulf %add3A_104, %slice3A_105 : vector<512x64xf32>
    %reduce_sum3A_107 = arith.constant dense<0.000000e+00> : vector<512xf32>
    %reduce_sum3A_108 = vector.multi_reduction <add>, %mul3A_106, %reduce_sum3A_107 [1] : vector<512x64xf32> to vector<512xf32>
    %broadcast_in_dim3A_109 = vector.shape_cast %reduce_sum3A_108 : vector<512xf32> to vector<512x1xf32>
    %slice3A_110 = vector.extract_strided_slice %add3A_104 {offsets = [511, 0], sizes = [1, 64], strides = [1, 1]} : vector<512x64xf32> to vector<1x64xf32>
    %slice3A_111 = vector.extract_strided_slice %slice3A_100 {offsets = [511, 0], sizes = [1, 64], strides = [1, 1]} : vector<512x64xbf16> to vector<1x64xbf16>
    %convert_element_type3A_112 = arith.extf %slice3A_111 : vector<1x64xbf16> to vector<1x64xf32>
    %add3A_113 = arith.addf %slice3A_110, %convert_element_type3A_112 : vector<1x64xf32>
    %slice3A_114 = vector.extract_strided_slice %convert_element_type3A_31 {offsets = [3072, 0], sizes = [512, 64], strides = [1, 1]} : vector<4096x64xbf16> to vector<512x64xbf16>
    %dot_general3A_115 = arith.constant dense<0.000000e+00> : vector<512x64xf32>
    %dot_general3A_116 = tpu.matmul %convert_element_type3A_2, %slice3A_114, %dot_general3A_115 {dimension_numbers = #tpu.dot_dimension_numbers<[1], [0], [0], [1], [0, 0, 1, 1], [], []>, transpose_lhs_hint = false} : vector<512x512xbf16>, vector<512x64xbf16>, vector<512x64xf32> -> vector<512x64xf32>
    %add3A_117 = vector.broadcast %add3A_113 : vector<1x64xf32> to vector<512x64xf32>
    %add3A_118 = arith.addf %dot_general3A_116, %add3A_117 : vector<512x64xf32>
    %slice3A_119 = vector.extract_strided_slice %convert_element_type3A_26 {offsets = [3072, 0], sizes = [512, 64], strides = [1, 1]} : vector<4096x64xf32> to vector<512x64xf32>
    %mul3A_120 = arith.mulf %add3A_118, %slice3A_119 : vector<512x64xf32>
    %reduce_sum3A_121 = arith.constant dense<0.000000e+00> : vector<512xf32>
    %reduce_sum3A_122 = vector.multi_reduction <add>, %mul3A_120, %reduce_sum3A_121 [1] : vector<512x64xf32> to vector<512xf32>
    %broadcast_in_dim3A_123 = vector.shape_cast %reduce_sum3A_122 : vector<512xf32> to vector<512x1xf32>
    %slice3A_124 = vector.extract_strided_slice %add3A_118 {offsets = [511, 0], sizes = [1, 64], strides = [1, 1]} : vector<512x64xf32> to vector<1x64xf32>
    %slice3A_125 = vector.extract_strided_slice %slice3A_114 {offsets = [511, 0], sizes = [1, 64], strides = [1, 1]} : vector<512x64xbf16> to vector<1x64xbf16>
    %convert_element_type3A_126 = arith.extf %slice3A_125 : vector<1x64xbf16> to vector<1x64xf32>
    %add3A_127 = arith.addf %slice3A_124, %convert_element_type3A_126 : vector<1x64xf32>
    %slice3A_128 = vector.extract_strided_slice %convert_element_type3A_31 {offsets = [3584, 0], sizes = [512, 64], strides = [1, 1]} : vector<4096x64xbf16> to vector<512x64xbf16>
    %dot_general3A_129 = arith.constant dense<0.000000e+00> : vector<512x64xf32>
    %dot_general3A_130 = tpu.matmul %convert_element_type3A_2, %slice3A_128, %dot_general3A_129 {dimension_numbers = #tpu.dot_dimension_numbers<[1], [0], [0], [1], [0, 0, 1, 1], [], []>, transpose_lhs_hint = false} : vector<512x512xbf16>, vector<512x64xbf16>, vector<512x64xf32> -> vector<512x64xf32>
    %add3A_131 = vector.broadcast %add3A_127 : vector<1x64xf32> to vector<512x64xf32>
    %add3A_132 = arith.addf %dot_general3A_130, %add3A_131 : vector<512x64xf32>
    %slice3A_133 = vector.extract_strided_slice %convert_element_type3A_26 {offsets = [3584, 0], sizes = [512, 64], strides = [1, 1]} : vector<4096x64xf32> to vector<512x64xf32>
    %mul3A_134 = arith.mulf %add3A_132, %slice3A_133 : vector<512x64xf32>
    %reduce_sum3A_135 = arith.constant dense<0.000000e+00> : vector<512xf32>
    %reduce_sum3A_136 = vector.multi_reduction <add>, %mul3A_134, %reduce_sum3A_135 [1] : vector<512x64xf32> to vector<512xf32>
    %broadcast_in_dim3A_137 = vector.shape_cast %reduce_sum3A_136 : vector<512xf32> to vector<512x1xf32>
    %concatenate3A = tpu.concatenate %broadcast_in_dim3A_39, %broadcast_in_dim3A_53, %broadcast_in_dim3A_67, %broadcast_in_dim3A_81, %broadcast_in_dim3A_95, %broadcast_in_dim3A_109, %broadcast_in_dim3A_123, %broadcast_in_dim3A_137 in 0 : vector<512x1xf32>, vector<512x1xf32>, vector<512x1xf32>, vector<512x1xf32>, vector<512x1xf32>, vector<512x1xf32>, vector<512x1xf32>, vector<512x1xf32> -> vector<4096x1xf32>
    %convert_element_type3A_138 = arith.fptosi %concatenate3A : vector<4096x1xf32> to vector<4096x1xi32>
    %reshape3A = vector.shape_cast %convert_element_type3A_138 : vector<4096x1xi32> to vector<4096xi32>
    %swap3A = arith.constant 0 : index
    %swap3A_139 = vector.load %arg4[%swap3A] : memref<4096xi32, #tpu.memory_space<vmem>>, vector<4096xi32>
    tpu.vector_store %arg4[%swap3A], %reshape3A {strides = array<i32>} : memref<4096xi32, #tpu.memory_space<vmem>>, vector<4096xi32>,
    %iota3A_140 = tpu.iota {dimensions = array<i32: 0>} : vector<4096x1xi32>
    %convert_element_type3A_141 = arith.sitofp %iota3A_140 : vector<4096x1xi32> to vector<4096x1xf32>
    %ge3A = vector.broadcast %convert_element_type3A_141 : vector<4096x1xf32> to vector<4096x64xf32>
    %ge3A_142 = vector.broadcast %dot_general3A_30 : vector<1x64xf32> to vector<4096x64xf32>
    %ge3A_143 = arith.cmpf oge, %ge3A, %ge3A_142 : vector<4096x64xf32>
    %convert_element_type3A_144 = arith.extui %ge3A_143 : vector<4096x64xi1> to vector<4096x64xi32>
    %convert_element_type3A_145 = arith.sitofp %convert_element_type3A_144 : vector<4096x64xi32> to vector<4096x64xf32>
    %reduce_sum3A_146 = arith.constant dense<0.000000e+00> : vector<4096xf32>
    %reduce_sum3A_147 = vector.multi_reduction <add>, %convert_element_type3A_145, %reduce_sum3A_146 [1] : vector<4096x64xf32> to vector<4096xf32>
    %broadcast_in_dim3A_148 = vector.shape_cast %reduce_sum3A_147 : vector<4096xf32> to vector<4096x1xf32>
    %convert_element_type3A_149 = arith.fptosi %broadcast_in_dim3A_148 : vector<4096x1xf32> to vector<4096x1xi32>
    %swap3A_150 = arith.constant 0 : index
    %swap3A_151 = arith.constant 0 : index
    %swap3A_152 = vector.load %arg5[%swap3A_150, %swap3A_151] : memref<4096x1xi32, #tpu.memory_space<vmem>>, vector<4096x1xi32>
    tpu.vector_store %arg5[%swap3A_150, %swap3A_151], %convert_element_type3A_149 {strides = array<i32>} : memref<4096x1xi32, #tpu.memory_space<vmem>>, vector<4096x1xi32>,
    %iota3A_153 = tpu.iota {dimensions = array<i32: 0>} : vector<8x1xi32>
    %convert_element_type3A_154 = arith.sitofp %iota3A_153 : vector<8x1xi32> to vector<8x1xf32>
    %mul3A_155 = arith.constant 5.120000e+02 : f32
    %mul3A_156 = vector.broadcast %mul3A_155 : f32 to vector<8x1xf32>
    %mul3A_157 = arith.mulf %convert_element_type3A_154, %mul3A_156 : vector<8x1xf32>
    %ge3A_158 = vector.broadcast %mul3A_157 : vector<8x1xf32> to vector<8x64xf32>
    %ge3A_159 = vector.broadcast %dot_general3A_30 : vector<1x64xf32> to vector<8x64xf32>
    %ge3A_160 = arith.cmpf oge, %ge3A_158, %ge3A_159 : vector<8x64xf32>
    %convert_element_type3A_161 = arith.extui %ge3A_160 : vector<8x64xi1> to vector<8x64xi32>
    %convert_element_type3A_162 = arith.sitofp %convert_element_type3A_161 : vector<8x64xi32> to vector<8x64xf32>
    %mul3A_163 = arith.constant 5.120000e+02 : f32
    %mul3A_164 = vector.broadcast %mul3A_163 : f32 to vector<8x1xf32>
    %mul3A_165 = arith.mulf %convert_element_type3A_154, %mul3A_164 : vector<8x1xf32>
    %add3A_166 = arith.constant 5.110000e+02 : f32
    %add3A_167 = vector.broadcast %add3A_166 : f32 to vector<8x1xf32>
    %add3A_168 = arith.addf %mul3A_165, %add3A_167 : vector<8x1xf32>
    %ge3A_169 = vector.broadcast %add3A_168 : vector<8x1xf32> to vector<8x64xf32>
    %ge3A_170 = vector.broadcast %dot_general3A_30 : vector<1x64xf32> to vector<8x64xf32>
    %ge3A_171 = arith.cmpf oge, %ge3A_169, %ge3A_170 : vector<8x64xf32>
    %convert_element_type3A_172 = arith.extui %ge3A_171 : vector<8x64xi1> to vector<8x64xi32>
    %convert_element_type3A_173 = arith.sitofp %convert_element_type3A_172 : vector<8x64xi32> to vector<8x64xf32>
    %reduce_sum3A_174 = arith.constant dense<0.000000e+00> : vector<8xf32>
    %reduce_sum3A_175 = vector.multi_reduction <add>, %convert_element_type3A_162, %reduce_sum3A_174 [1] : vector<8x64xf32> to vector<8xf32>
    %broadcast_in_dim3A_176 = vector.shape_cast %reduce_sum3A_175 : vector<8xf32> to vector<8x1xf32>
    %convert_element_type3A_177 = arith.fptosi %broadcast_in_dim3A_176 : vector<8x1xf32> to vector<8x1xi32>
    %reshape3A_178 = vector.shape_cast %convert_element_type3A_177 : vector<8x1xi32> to vector<8xi32>
    %swap3A_179 = arith.constant 0 : index
    %swap3A_180 = vector.load %arg6[%swap3A_179] : memref<8xi32, #tpu.memory_space<vmem>>, vector<8xi32>
    tpu.vector_store %arg6[%swap3A_179], %reshape3A_178 {strides = array<i32>} : memref<8xi32, #tpu.memory_space<vmem>>, vector<8xi32>,
    %reduce_sum3A_181 = arith.constant dense<0.000000e+00> : vector<8xf32>
    %reduce_sum3A_182 = vector.multi_reduction <add>, %convert_element_type3A_173, %reduce_sum3A_181 [1] : vector<8x64xf32> to vector<8xf32>
    %broadcast_in_dim3A_183 = vector.shape_cast %reduce_sum3A_182 : vector<8xf32> to vector<8x1xf32>
    %convert_element_type3A_184 = arith.fptosi %broadcast_in_dim3A_183 : vector<8x1xf32> to vector<8x1xi32>
    %reshape3A_185 = vector.shape_cast %convert_element_type3A_184 : vector<8x1xi32> to vector<8xi32>
    %swap3A_186 = arith.constant 0 : index
    %swap3A_187 = vector.load %arg7[%swap3A_186] : memref<8xi32, #tpu.memory_space<vmem>>, vector<8xi32>
    tpu.vector_store %arg7[%swap3A_186], %reshape3A_185 {strides = array<i32>} : memref<8xi32, #tpu.memory_space<vmem>>, vector<8xi32>,
    return
  }
  func.func @transform_0(%arg0: i32) -> (i32, i32) {
    %c0_i32 = arith.constant 0 : i32
    %c0_i32_0 = arith.constant 0 : i32
    %c0_i32_1 = arith.constant 0 : i32
    return %c0_i32, %c0_i32_0 : i32, i32
  }
  func.func @transform_1(%arg0: i32) -> (i32, i32) {
    %c0_i32 = arith.constant 0 : i32
    %c0_i32_0 = arith.constant 0 : i32
    %c0_i32_1 = arith.constant 0 : i32
    return %c0_i32, %c0_i32_0 : i32, i32
  }
  func.func @transform_2(%arg0: i32) -> (i32, i32) {
    %c0_i32 = arith.constant 0 : i32
    %c0_i32_0 = arith.constant 0 : i32
    %c0_i32_1 = arith.constant 0 : i32
    return %c0_i32, %c0_i32_0 : i32, i32
  }
  func.func @transform_3(%arg0: i32) -> i32 {
    %c0_i32 = arith.constant 0 : i32
    %c0_i32_0 = arith.constant 0 : i32
    return %c0_i32 : i32
  }
  func.func @transform_4(%arg0: i32) -> (i32, i32) {
    %c0_i32 = arith.constant 0 : i32
    %c0_i32_0 = arith.constant 0 : i32
    %c0_i32_1 = arith.constant 0 : i32
    return %c0_i32, %c0_i32_0 : i32, i32
  }
  func.func @transform_5(%arg0: i32) -> i32 {
    %c0_i32 = arith.constant 0 : i32
    %c0_i32_0 = arith.constant 0 : i32
    return %c0_i32 : i32
  }
  func.func @transform_6(%arg0: i32) -> i32 {
    %c0_i32 = arith.constant 0 : i32
    %c0_i32_0 = arith.constant 0 : i32
    return %c0_i32 : i32
  }
}

</mosaic_0001>

<sc_bundles>
// kernel: kernel.6.cloned.1.call-start
scs
__scs_entry_jumppad:
0x0: {  	(pc) =	sbr.rel $0x88, $3  }
0x1: {  	(tag) =	ssettag $0x0;
	lr =	simm.s32 $0x1  }
0x2: {  	[smem:$0x3F9C] =	sst lr;
	_ =	strace $0xD0000000  }
0x3: {  	_ = 	snop  }
0x4: {  	_ = 	snop  }
0x5: {  	_ = 	snop  }
0x6: {  	_ = 	snop  }
0x7: {  	_ = 	snop  }
__scs_overlays_trampoline_lowered:
0x8: {  	[smem:$0x3FAB] =	sst s0  }
0x9: {  	[smem:$0x3FAC] =	sst s1  }
0xa: {  	[smem:$0x3FAD] =	sst s2  }
0xb: {  	[smem:$0x3FAE] =	sst s3  }
0xc: {  	[smem:$0x3FAF] =	sst s4  }
0xd: {  	[smem:$0x3FB0] =	sst s5  }
0xe: {  	[smem:$0x3FB1] =	sst s6  }
0xf: {  	[smem:$0x3FB2] =	sst s7  }
0x10: {  	[smem:$0x3FB3] =	sst s8  }
0x11: {  	[smem:$0x3FB4] =	sst s9;
	s0 =	simm.s32 @!p0 $0x0  }
0x12: {  	s1 =	sld [smem:$0x3F9A];
	s0 =	simm.s32 @p0 $0x1  }
0x13: {  	[smem:$0x3FB5] =	sst s0;
	s0 =	simm.s32 @!p1 $0x0  }
0x14: {  	s2 =	sld [smem:$0x3F99];
	s0 =	simm.s32 @p1 $0x1  }
0x15: {  	[smem:$0x3FB6] =	sst s0;
	s0 =	simm.s32 @!p2 $0x0  }
0x16: {  	s3 =	sld [smem:$0x3FDB];
	s0 =	simm.s32 @p2 $0x1  }
0x17: {  	s4 =	simm.s32 $0x1BF5;
	[smem:$0x3FB8] =	sst s0  }
0x18: {  	s0 =	sld [smem:$0x3F9B];
	_ =	swait.ge [sflag:s4], $0x0  }
0x19: {  	s7 =	sld [smem:$0x3F9C]  }
0x1a: {  	s8 =	sadd.s32 $0xFFFFE003, lr  }
0x1b: {  	s9 =	sadd.s32 $0xFFFFFEF7, lr;
	s5 =	simm.s32 $0xFFFFFFFF;
	p2 =	slt.u32 s8, $0xFFFFF086  }
0x1c: {  	p1 =	slt.u32 s9, $0xF7A;
	s5 =	simm.s32 @!p2 $0x0  }
0x1d: {  	s5 =	simm.s32 @p1 $0x1;
	p0 =	seq.s32 s7, s2  }
0x1e: {  	s7 =	smul.u32 @!p0 $0xF7A, s2;
	p2 =	seq.s32 @!p0 s5, $0x0  }
0x1f: {  	s9 =	smul.u32 $0xF7A, s1;
	s8 =	simm.s32 @!p0 $0x1BF5;
	p2 =	por !p2, p0  }
0x20: {  	[sflag:s8] =	ssyncset.s32 @!p0 $0xFFFFF086;
	s6 =	sadd.s32 @!p0 s3, s7;
	s7 =	simm.s32 @!p0 $0x108  }
0x21: {  	s3 =	sadd.s32 s3, s9;
	s6 =	sadd.s32 @!p0 $0x88, s6;
	s7 =	simm.s32 @p2 $0x1082  }
0x22: {  	[simem:s7], [sflag:s8] =	dma.local @!p0 [hbm:s6], $0xF7A  }
0x23: {  	s9 =	sor.u32 $0xD0000000, s2;
	s6 =	simm.s32 $0x108;
	_ =	swait.ge @!p0 [sflag:s8], $0x0  }
0x24: {  	s3 =	sadd.s32 $0x88, s3;
	s6 =	simm.s32 @!p1 $0x1082;
	[sflag:s4] =	ssyncset.s32 $0xFFFFF086  }
0x25: {  	[simem:s6], [sflag:s4] =	dma.local [hbm:s3], $0xF7A  }
0x26: {  	[smem:$0x3F9C] =	sst s1;
	(tag) =	ssettag s2;
	_ =	strace s9  }
0x27: {  	s1 =	sld [smem:$0x3FAC]  }
0x28: {  	s2 =	sld [smem:$0x3FAD]  }
0x29: {  	s4 =	sld [smem:$0x3FAF]  }
0x2a: {  	p0 =	seq.s32 s5, $0x0;
	s5 =	sld [smem:$0x3FB0]  }
0x2b: {  	s6 =	sld [smem:$0x3FB1]  }
0x2c: {  	s7 =	sld [smem:$0x3FB2]  }
0x2d: {  	s3 =	simm.s32 $0x108;
	s8 =	sld [smem:$0x3FB3]  }
0x2e: {  	s3 =	simm.s32 @!p0 $0x1082;
	s9 =	sld [smem:$0x3FB4]  }
0x2f: {  	lr =	sadd.s32 s0, s3;
	s0 =	sld [smem:$0x3FAB]  }
0x30: {  	s3 =	sld [smem:$0x3FAE]  }
0x31: {  	[smem:$0x3FB7] =	sst s10  }
0x32: {  	s10 =	sld [smem:$0x3FB5];
	_ =	sdelay $0x3  }
0x33: {  	p0 =	seq.s32 s10, $0x1;
	s10 =	sld [smem:$0x3FB7];
	_ =	sdelay $0x3  }
0x34: {  	[smem:$0x3FB7] =	sst s10  }
0x35: {  	s10 =	sld [smem:$0x3FB6];
	_ =	sdelay $0x3  }
0x36: {  	p1 =	seq.s32 s10, $0x1;
	s10 =	sld [smem:$0x3FB7];
	_ =	sdelay $0x3  }
0x37: {  	[smem:$0x3FB7] =	sst s10  }
0x38: {  	s10 =	sld [smem:$0x3FB8]  }
0x39: {  	_ = 	snop;
	(pc) =	sbr.ind lr, $3  }
0x3a: {  	_ = 	snop  }
0x3b: {  	_ = 	snop  }
0x3c: {  	p2 =	seq.s32 s10, $0x1;
	s10 =	sld [smem:$0x3FB7]  }
0x3d: {  	_ =	shalt  }
0x3e: {  	_ =	shalt  }
0x3f: {  	_ =	shalt  }
0x40: {  	_ =	shalt  }
0x41: {  	_ =	shalt  }
0x42: {  	_ =	shalt  }
0x43: {  	_ =	shalt  }
0x44: {  	_ =	shalt  }
0x45: {  	_ =	shalt  }
0x46: {  	_ =	shalt  }
0x47: {  	_ =	shalt  }
0x48: {  	_ =	shalt  }
0x49: {  	_ =	shalt  }
0x4a: {  	_ =	shalt  }
0x4b: {  	_ =	shalt  }
0x4c: {  	_ =	shalt  }
0x4d: {  	_ =	shalt  }
0x4e: {  	_ =	shalt  }
0x4f: {  	_ =	shalt  }
0x50: {  	_ =	shalt  }
0x51: {  	_ =	shalt  }
0x52: {  	_ =	shalt  }
0x53: {  	_ =	shalt  }
0x54: {  	_ =	shalt  }
0x55: {  	_ =	shalt  }
0x56: {  	_ =	shalt  }
0x57: {  	_ =	shalt  }
0x58: {  	_ =	shalt  }
0x59: {  	_ =	shalt  }
0x5a: {  	_ =	shalt  }
0x5b: {  	_ =	shalt  }
0x5c: {  	_ =	shalt  }
0x5d: {  	_ =	shalt  }
0x5e: {  	_ =	shalt  }
0x5f: {  	_ =	shalt  }
0x60: {  	_ =	shalt  }
0x61: {  	_ =	shalt  }
0x62: {  	_ =	shalt  }
0x63: {  	_ =	shalt  }
0x64: {  	_ =	shalt  }
0x65: {  	_ =	shalt  }
0x66: {  	_ =	shalt  }
0x67: {  	_ =	shalt  }
0x68: {  	_ =	shalt  }
0x69: {  	_ =	shalt  }
0x6a: {  	_ =	shalt  }
0x6b: {  	_ =	shalt  }
0x6c: {  	_ =	shalt  }
0x6d: {  	_ =	shalt  }
0x6e: {  	_ =	shalt  }
0x6f: {  	_ =	shalt  }
0x70: {  	_ =	shalt  }
0x71: {  	_ =	shalt  }
0x72: {  	_ =	shalt  }
0x73: {  	_ =	shalt  }
0x74: {  	_ =	shalt  }
0x75: {  	_ =	shalt  }
0x76: {  	_ =	shalt  }
0x77: {  	_ =	shalt  }
0x78: {  	_ =	shalt  }
0x79: {  	_ =	shalt  }
0x7a: {  	_ =	shalt  }
0x7b: {  	_ =	shalt  }
0x7c: {  	_ =	shalt  }
0x7d: {  	_ =	shalt  }
0x7e: {  	_ =	shalt  }
0x7f: {  	_ =	shalt  }
0x80: {  	_ =	shalt  }
0x81: {  	_ =	shalt  }
0x82: {  	_ =	shalt  }
0x83: {  	_ =	shalt  }
0x84: {  	_ =	shalt  }
0x85: {  	_ =	shalt  }
0x86: {  	_ =	shalt  }
0x87: {  	_ =	shalt  }
.Lfunc_end0:
.L_simem_size_0:
called_computation_lowered:
.L_overlay_start_0:
0x88: {  	s2 =	sld [smem:$0x3FD9]  }
0x89: {  	s3 =	sld [smem:$0x3FFE];
	_ =	sdelay $0x1  }
0x8a: {  	s1 =	srdreg.scid  }
0x8b: {  	s0 =	sand.u32 $0x1, s1  }
0x8c: {  	s17 =	sshll.u32 s0, $0xA;
	s2 =	sadd.s32 s3, s2  }
0x8d: {  	s2 =	sadd.s32 s2, s17  }
0x8e: {  	[smem:$0x3FC3] =	sst s2  }
0x8f: {  	_ = 	snop  }
0x90: {  	s2 =	sld [smem:$0x3FC9]  }
0x91: {  	s18 =	sld [smem:$0x3FD0];
	(tm) =	ssettm $0x1  }
0x92: {  	s4 =	sld [smem:$0x3FFB];
	_ =	sdelay $0x3  }
0x93: {  	_ =	strace s4  }
0x94: {  	s4 =	sld [smem:$0x3FFC];
	_ =	sdelay $0x3  }
0x95: {  	_ =	strace s4  }
0x96: {  	s4 =	sld [smem:$0x3FFD];
	_ =	sdelay $0x3  }
0x97: {  	_ =	strace s4  }
0x98: {  	_ =	strace $0x8FFFFFFF  }
0x99: {  	s19 =	sld [smem:$0x3FDB];
	_ =	sdelay $0x1  }
0x9a: {  	s5 =	simm.s32 $_scs_section_size  }
0x9b: {  	s6 =	simm.s32 $_size__tile_overlayer_lowered;
	s7 =	simm.s32 $_tile_overlayer_lowered  }
0x9c: {  	s22 =	simm.s32 $0x1BFF;
	s21 =	sshll.u32 s7, $0x1;
	s4 =	sadd.s32 s5, s19  }
0x9d: {  	s8 =	simm.s32 $0x0;
	s20 =	sshll.u32 s6, $0x1;
	s6 =	sadd.s32 s21, s4  }
0x9e: {  	[timem:s8], [sflag:s22] =	dma.local [hbm:s6], s20  }
0x9f: {  	_ =	swait.ge [sflag:s22], s20  }
0xa0: {  	s5 =	ssub.s32 $0x0, s20;
	[sflag:s22] =	ssyncset.done $0x0  }
0xa1: {  	[sflag:s22] =	ssyncadd.s32 s5;
	_ =	sdelay $0x1  }
0xa2: {  	s23 =	simm.s32 $0x1B8B  }
0xa3: {  	_ =	swait.ge [sflag:s23], $0x1  }
0xa4: {  	[sflag:s23] =	ssyncset.done $0x0  }
0xa5: {  	s25 =	simm.s32 $0x1B8E;
	s24 =	sld [smem:$0x3FFE];
	[sflag:s23] =	ssyncadd.s32 $0xFFFFFFFF  }
0xa6: {  	s26 =	simm.s32 $execute0_lowered;
	[smem:$0x3FD2] =	sst s25  }
0xa7: {  	s6 =	sshll.u32 s26, $0x1;
	_ =	strace $0x80000046;
	[dreg:$0x1] =	wrdreg $0xFFFFFFFF  }
0xa8: {  	s28 =	simm.s32 $_size_execute0_lowered;
	s4 =	sadd.s32 s4, s6;
	[dreg:$0x0] =	wrdreg $0x0  }
0xa9: {  	s6 =	sshll.u32 s28, $0x1;
	[dreg:$0x2] =	wrdreg s4  }
0xaa: {  	[dreg:$0x3] =	wrdreg s6  }
0xab: {  	[dreg:$0x4] =	wrdreg $0xC0  }
0xac: {  	_ =	task [dreg:s8], $0x5FFFF  }
0xad: {  	[dreg:$0x1] =	wrdreg $0xFFFFFFFF  }
0xae: {  	[dreg:$0x0] =	wrdreg $0x60  }
0xaf: {  	[dreg:$0x2] =	wrdreg s2  }
0xb0: {  	[dreg:$0x3] =	wrdreg s24  }
0xb1: {  	[dreg:$0x4] =	wrdreg s18  }
0xb2: {  	[dreg:$0x5] =	wrdreg $0x9  }
0xb3: {  	_ =	task.clear_ibuf [dreg:s8], $0x6FFFF;
	_ =	strace $0x90000046  }
0xb4: {  	s29 =	simm.s32 $0x9;
	_ =	strace $0x80000048  }
0xb5: {  	_ =	swait.ge [sflag:s29], $0x1  }
0xb6: {  	[sflag:s29] =	ssyncadd.s32 $0xFFFFFFFF  }
0xb7: {  	_ =	strace $0x90000048  }
0xb8: {  	_ =	sfence  }
0xb9: {  	s30 =	sld [smem:$0x0];
	_ =	sdelay $0x2  }
0xba: {  	s31 =	sshll.u32 s1, $0xD;
	s1 =	sshrl.u32 s1, $0x2  }
0xbb: {  	s3 =	sand.u32 $0x4000, s31;
	s1 =	sadd.s32 s1, s30  }
0xbc: {  	s0 =	sor.u32 s3, s0;
	s1 =	sshll.u32 s1, $0x11  }
0xbd: {  	s0 =	sor.u32 s1, s0  }
0xbe: {  	s0 =	sadd.s32 $0x8F2B, s0  }
0xbf: {  	[sflag:s0] =	ssyncadd.remote.s32 $0x1  }
0xc0: {  	_ =	sfence.sel $0xFFFF  }
0xc1: {  	[dreg:$0x0] =	wrdreg $0xFFFFFFFF;
	(pc) =	sbr.abs _section_cstart, $3  }
0xc2: {  	[dreg:$0x1] =	wrdreg $0xFFFFFFFF  }
0xc3: {  	_ =	task.clear_ibuf [dreg:s8], $0x2FFFF;
	_ =	strace $0x9FFFFFFF  }
0xc4: {  	(tm) =	ssettm $0x7FFFFFFF  }
0xc5: {  	_ =	shalt  }
tec
execute0_lowered:
.L_overlay_start_1:
0x0: {  	(tag) =	ssettag $0x1  }
0x1: {  	s1 =	srdreg.scid  }
0x2: {  	s6 =	rddreg [dreg:$0x0];
	s0 =	stileid.u32;
	s7 =	sand.u32 $0x1, s1  }
0x3: {  	s4 =	rddreg [dreg:$0x1];
	s29 =	sshll.u32 s0, $0x8;
	s3 =	sshll.u32 s7, $0x7  }
0x4: {  	s2 =	rddreg [dreg:$0x2];
	s8 =	sor.u32 s3, s29  }
0x5: {  	s1 =	rddreg [dreg:$0x3];
	s3 =	simm.s32 $0x0;
	s5 =	sshrl.u32 s8, $0x3  }
0x6: {  	s9 =	ssub.s32 $0x2, s7;
	[smem:$0x7FF] =	sst s3;
	s4 =	sadd.s32 s5, s4  }
0x7: {  	_ =	strace $0x80000047;
	s5 =	simm.s32 $0x2;
	s4 =	sadd.s32 $0x1A00, s4  }
0x8: {  	[tilespmem:s3], [sflag:$0x2] =	stream.linear.gather [hbm4b:s4+s3], $0x80, $0x38;
	[tilespmem:$0x4080] =	vst v63  }
0x9: {  	s7 =	simm.s32 $0x80;
	s31 =	sshrl.u32 s9, $0x1;
	_ =	swait.ge [sflag:s5], $0x80  }
0xa: {  	s30 =	sshll.u32 s8, $0x4;
	s8 =	ssub.s32 s9, s31;
	[sflag:s5] =	ssyncset.done $0x0  }
0xb: {  	s6 =	sadd.s32 s6, s30;
	s9 =	smax.u32 s8, $0x1;
	[sflag:s5] =	ssyncadd.s32 $0xFFFFFF80  }
0xc: {  	[tilespmem:s7], [sflag:$0x2] =	stream.linear.gather [hbm4b:s6+s3], $0x4000, $0x38;
	[tilespmem:$0x4080] =	vst v63  }
0xd: {  	p0 =	sne.s32 s9, $0x1;
	_ =	swait.ge [sflag:s5], $0x4000  }
.Ltmp0:
0xe: {  	[sflag:s5] =	ssyncset.done $0x0;
	(pc) =	sbr.rel @!p0 .LBB2_2-.Ltmp0, $4  }
0xf: {  	s8 =	simm.s32 $0x1;
	[sflag:s5] =	ssyncadd.s32 $0xFFFFC000  }
0x10: {  	[hbm4b:s2+s7] =	stream.indirect.scatter [tilespmem:s7], [sflag:$0x1], $0x80, s3, s7, $0xb8;
	[tilespmem:$0x4080] =	vst v63  }
0x11: {  	_ =	swait.ge [sflag:s8], $0x4000  }
0x12: {  	s9 =	sadd.s32 $0xFFFFFFFF, s9;
	[sflag:s8] =	ssyncset.done $0x0  }
.LBB2_1:
0x13: {  	p0 =	sne.s32 s9, $0x1;
	s9 =	sadd.s32 $0xFFFFFFFF, s9;
	[sflag:s8] =	ssyncadd.s32 $0xFFFFC000  }
0x14: {  	[tilespmem:s3], [sflag:$0x2] =	stream.linear.gather [hbm4b:s4+s3], $0x80, $0x38;
	[tilespmem:$0x4080] =	vst v63  }
0x15: {  	_ =	swait.ge [sflag:s5], $0x80  }
0x16: {  	[sflag:s5] =	ssyncset.done $0x0  }
0x17: {  	[sflag:s5] =	ssyncadd.s32 $0xFFFFFF80  }
0x18: {  	[tilespmem:s7], [sflag:$0x2] =	stream.linear.gather [hbm4b:s6+s3], $0x4000, $0x38;
	[tilespmem:$0x4080] =	vst v63  }
0x19: {  	_ =	swait.ge [sflag:s5], $0x4000  }
.Ltmp1:
0x1a: {  	[sflag:s5] =	ssyncset.done $0x0;
	(pc) =	sbr.rel @p0 .LBB2_1-.Ltmp1, $4  }
0x1b: {  	[sflag:s5] =	ssyncadd.s32 $0xFFFFC000  }
0x1c: {  	[hbm4b:s2+s7] =	stream.indirect.scatter [tilespmem:s7], [sflag:$0x1], $0x80, s3, s7, $0xb8;
	[tilespmem:$0x4080] =	vst v63  }
0x1d: {  	_ =	swait.ge [sflag:s8], $0x4000  }
0x1e: {  	[sflag:s8] =	ssyncset.done $0x0  }
.LBB2_2:
0x1f: {  	[sflag:s8] =	ssyncadd.s32 $0xFFFFC000  }
0x20: {  	_ =	sfence.sel $0x180000  }
0x21: {  	[bflag:$0x0] =	sbarrier.arrive $0xFFFF  }
0x22: {  	p0 =	sne.s32 s0, $0x0;
	_ =	strace $0x90000047  }
0x23: {  	s0 =	sadd.s32 @!p0 $0x100000, s1;
	[bflag:$0x2] =	sbarrier.arrive $0xFFFF  }
0x24: {  	[sflag:s0] =	ssyncadd.tile.s32 @!p0 $0x1;
	_ =	shalt  }
.Lfunc_end2:
_tile_overlayer_lowered:
.L_overlay_start_2:
0x25: {  	(tag) =	ssettag $0x2  }
0x26: {  	s0 =	rddreg [dreg:$0x0];
	s2 =	stileid.u32  }
0x27: {  	s1 =	rddreg [dreg:$0x1];
	p0 =	sne.s32 s2, $0x0  }
0x28: {  	s3 =	rddreg [dreg:$0x2];
	[bflag:$0x3] =	sbarrier.arrive $0xFFFF;
	s2 =	simm.s32 @!p0 $0x1C02  }
0x29: {  	[timem:s3], [sflag:s2] =	dma.local @!p0 [hbm:s0], s1  }
0x2a: {  	s0 =	simm.s32 @!p0 $0x2  }
0x2b: {  	_ =	swait.ge @!p0 [sflag:s0], s1  }
0x2c: {  	s1 =	ssub.s32 @!p0 $0x0, s1;
	[sflag:s0] =	ssyncset.done @!p0 $0x0  }
0x2d: {  	[sflag:s0] =	ssyncadd.s32 @!p0 s1  }
0x2e: {  	[bflag:$0x3] =	sbarrier.arrive $0xFFFF  }
0x2f: {  	_ =	shalt  }

// kernel: kernel.9.cloned.1.call-start
scs
__scs_entry_jumppad:
0x0: {  	(pc) =	sbr.rel $0x88, $3  }
0x1: {  	(tag) =	ssettag $0x0;
	lr =	simm.s32 $0x1  }
0x2: {  	[smem:$0x3F9C] =	sst lr;
	_ =	strace $0xD0000000  }
0x3: {  	_ = 	snop  }
0x4: {  	_ = 	snop  }
0x5: {  	_ = 	snop  }
0x6: {  	_ = 	snop  }
0x7: {  	_ = 	snop  }
__scs_overlays_trampoline_lowered:
0x8: {  	[smem:$0x3FAB] =	sst s0  }
0x9: {  	[smem:$0x3FAC] =	sst s1  }
0xa: {  	[smem:$0x3FAD] =	sst s2  }
0xb: {  	[smem:$0x3FAE] =	sst s3  }
0xc: {  	[smem:$0x3FAF] =	sst s4  }
0xd: {  	[smem:$0x3FB0] =	sst s5  }
0xe: {  	[smem:$0x3FB1] =	sst s6  }
0xf: {  	[smem:$0x3FB2] =	sst s7  }
0x10: {  	[smem:$0x3FB3] =	sst s8  }
0x11: {  	[smem:$0x3FB4] =	sst s9;
	s0 =	simm.s32 @!p0 $0x0  }
0x12: {  	s1 =	sld [smem:$0x3F9A];
	s0 =	simm.s32 @p0 $0x1  }
0x13: {  	[smem:$0x3FB5] =	sst s0;
	s0 =	simm.s32 @!p1 $0x0  }
0x14: {  	s2 =	sld [smem:$0x3F99];
	s0 =	simm.s32 @p1 $0x1  }
0x15: {  	[smem:$0x3FB6] =	sst s0;
	s0 =	simm.s32 @!p2 $0x0  }
0x16: {  	s3 =	sld [smem:$0x3FDB];
	s0 =	simm.s32 @p2 $0x1  }
0x17: {  	s4 =	simm.s32 $0x1BF5;
	[smem:$0x3FB8] =	sst s0  }
0x18: {  	s0 =	sld [smem:$0x3F9B];
	_ =	swait.ge [sflag:s4], $0x0  }
0x19: {  	s7 =	sld [smem:$0x3F9C]  }
0x1a: {  	s8 =	sadd.s32 $0xFFFFE003, lr  }
0x1b: {  	s9 =	sadd.s32 $0xFFFFFEF7, lr;
	s5 =	simm.s32 $0xFFFFFFFF;
	p2 =	slt.u32 s8, $0xFFFFF086  }
0x1c: {  	p1 =	slt.u32 s9, $0xF7A;
	s5 =	simm.s32 @!p2 $0x0  }
0x1d: {  	s5 =	simm.s32 @p1 $0x1;
	p0 =	seq.s32 s7, s2  }
0x1e: {  	s7 =	smul.u32 @!p0 $0xF7A, s2;
	p2 =	seq.s32 @!p0 s5, $0x0  }
0x1f: {  	s9 =	smul.u32 $0xF7A, s1;
	s8 =	simm.s32 @!p0 $0x1BF5;
	p2 =	por !p2, p0  }
0x20: {  	[sflag:s8] =	ssyncset.s32 @!p0 $0xFFFFF086;
	s6 =	sadd.s32 @!p0 s3, s7;
	s7 =	simm.s32 @!p0 $0x108  }
0x21: {  	s3 =	sadd.s32 s3, s9;
	s6 =	sadd.s32 @!p0 $0x88, s6;
	s7 =	simm.s32 @p2 $0x1082  }
0x22: {  	[simem:s7], [sflag:s8] =	dma.local @!p0 [hbm:s6], $0xF7A  }
0x23: {  	s9 =	sor.u32 $0xD0000000, s2;
	s6 =	simm.s32 $0x108;
	_ =	swait.ge @!p0 [sflag:s8], $0x0  }
0x24: {  	s3 =	sadd.s32 $0x88, s3;
	s6 =	simm.s32 @!p1 $0x1082;
	[sflag:s4] =	ssyncset.s32 $0xFFFFF086  }
0x25: {  	[simem:s6], [sflag:s4] =	dma.local [hbm:s3], $0xF7A  }
0x26: {  	[smem:$0x3F9C] =	sst s1;
	(tag) =	ssettag s2;
	_ =	strace s9  }
0x27: {  	s1 =	sld [smem:$0x3FAC]  }
0x28: {  	s2 =	sld [smem:$0x3FAD]  }
0x29: {  	s4 =	sld [smem:$0x3FAF]  }
0x2a: {  	p0 =	seq.s32 s5, $0x0;
	s5 =	sld [smem:$0x3FB0]  }
0x2b: {  	s6 =	sld [smem:$0x3FB1]  }
0x2c: {  	s7 =	sld [smem:$0x3FB2]  }
0x2d: {  	s3 =	simm.s32 $0x108;
	s8 =	sld [smem:$0x3FB3]  }
0x2e: {  	s3 =	simm.s32 @!p0 $0x1082;
	s9 =	sld [smem:$0x3FB4]  }
0x2f: {  	lr =	sadd.s32 s0, s3;
	s0 =	sld [smem:$0x3FAB]  }
0x30: {  	s3 =	sld [smem:$0x3FAE]  }
0x31: {  	[smem:$0x3FB7] =	sst s10  }
0x32: {  	s10 =	sld [smem:$0x3FB5];
	_ =	sdelay $0x3  }
0x33: {  	p0 =	seq.s32 s10, $0x1;
	s10 =	sld [smem:$0x3FB7];
	_ =	sdelay $0x3  }
0x34: {  	[smem:$0x3FB7] =	sst s10  }
0x35: {  	s10 =	sld [smem:$0x3FB6];
	_ =	sdelay $0x3  }
0x36: {  	p1 =	seq.s32 s10, $0x1;
	s10 =	sld [smem:$0x3FB7];
	_ =	sdelay $0x3  }
0x37: {  	[smem:$0x3FB7] =	sst s10  }
0x38: {  	s10 =	sld [smem:$0x3FB8]  }
0x39: {  	_ = 	snop;
	(pc) =	sbr.ind lr, $3  }
0x3a: {  	_ = 	snop  }
0x3b: {  	_ = 	snop  }
0x3c: {  	p2 =	seq.s32 s10, $0x1;
	s10 =	sld [smem:$0x3FB7]  }
0x3d: {  	_ =	shalt  }
0x3e: {  	_ =	shalt  }
0x3f: {  	_ =	shalt  }
0x40: {  	_ =	shalt  }
0x41: {  	_ =	shalt  }
0x42: {  	_ =	shalt  }
0x43: {  	_ =	shalt  }
0x44: {  	_ =	shalt  }
0x45: {  	_ =	shalt  }
0x46: {  	_ =	shalt  }
0x47: {  	_ =	shalt  }
0x48: {  	_ =	shalt  }
0x49: {  	_ =	shalt  }
0x4a: {  	_ =	shalt  }
0x4b: {  	_ =	shalt  }
0x4c: {  	_ =	shalt  }
0x4d: {  	_ =	shalt  }
0x4e: {  	_ =	shalt  }
0x4f: {  	_ =	shalt  }
0x50: {  	_ =	shalt  }
0x51: {  	_ =	shalt  }
0x52: {  	_ =	shalt  }
0x53: {  	_ =	shalt  }
0x54: {  	_ =	shalt  }
0x55: {  	_ =	shalt  }
0x56: {  	_ =	shalt  }
0x57: {  	_ =	shalt  }
0x58: {  	_ =	shalt  }
0x59: {  	_ =	shalt  }
0x5a: {  	_ =	shalt  }
0x5b: {  	_ =	shalt  }
0x5c: {  	_ =	shalt  }
0x5d: {  	_ =	shalt  }
0x5e: {  	_ =	shalt  }
0x5f: {  	_ =	shalt  }
0x60: {  	_ =	shalt  }
0x61: {  	_ =	shalt  }
0x62: {  	_ =	shalt  }
0x63: {  	_ =	shalt  }
0x64: {  	_ =	shalt  }
0x65: {  	_ =	shalt  }
0x66: {  	_ =	shalt  }
0x67: {  	_ =	shalt  }
0x68: {  	_ =	shalt  }
0x69: {  	_ =	shalt  }
0x6a: {  	_ =	shalt  }
0x6b: {  	_ =	shalt  }
0x6c: {  	_ =	shalt  }
0x6d: {  	_ =	shalt  }
0x6e: {  	_ =	shalt  }
0x6f: {  	_ =	shalt  }
0x70: {  	_ =	shalt  }
0x71: {  	_ =	shalt  }
0x72: {  	_ =	shalt  }
0x73: {  	_ =	shalt  }
0x74: {  	_ =	shalt  }
0x75: {  	_ =	shalt  }
0x76: {  	_ =	shalt  }
0x77: {  	_ =	shalt  }
0x78: {  	_ =	shalt  }
0x79: {  	_ =	shalt  }
0x7a: {  	_ =	shalt  }
0x7b: {  	_ =	shalt  }
0x7c: {  	_ =	shalt  }
0x7d: {  	_ =	shalt  }
0x7e: {  	_ =	shalt  }
0x7f: {  	_ =	shalt  }
0x80: {  	_ =	shalt  }
0x81: {  	_ =	shalt  }
0x82: {  	_ =	shalt  }
0x83: {  	_ =	shalt  }
0x84: {  	_ =	shalt  }
0x85: {  	_ =	shalt  }
0x86: {  	_ =	shalt  }
0x87: {  	_ =	shalt  }
.Lfunc_end0:
.L_simem_size_0:
called_computation.1_lowered:
.L_overlay_start_0:
0x88: {  	s2 =	sld [smem:$0x3FD9]  }
0x89: {  	s3 =	sld [smem:$0x3FFE];
	_ =	sdelay $0x1  }
0x8a: {  	s1 =	srdreg.scid  }
0x8b: {  	s0 =	sand.u32 $0x1, s1  }
0x8c: {  	s17 =	sshll.u32 s0, $0xA;
	s2 =	sadd.s32 s3, s2  }
0x8d: {  	s2 =	sadd.s32 s2, s17  }
0x8e: {  	[smem:$0x3FC3] =	sst s2  }
0x8f: {  	_ = 	snop  }
0x90: {  	s2 =	sld [smem:$0x3FD0];
	(tm) =	ssettm $0x1  }
0x91: {  	s18 =	sld [smem:$0x3FFB];
	_ =	sdelay $0x3  }
0x92: {  	_ =	strace s18  }
0x93: {  	s3 =	sld [smem:$0x3FFC];
	_ =	sdelay $0x3  }
0x94: {  	_ =	strace s3  }
0x95: {  	s3 =	sld [smem:$0x3FFD];
	_ =	sdelay $0x3  }
0x96: {  	_ =	strace s3  }
0x97: {  	_ =	strace $0x8FFFFFFF  }
0x98: {  	s19 =	sld [smem:$0x3FDB];
	_ =	sdelay $0x1  }
0x99: {  	s4 =	simm.s32 $_scs_section_size  }
0x9a: {  	s5 =	simm.s32 $_size__tile_overlayer_lowered;
	s6 =	simm.s32 $_tile_overlayer_lowered  }
0x9b: {  	s22 =	simm.s32 $0x1BFF;
	s21 =	sshll.u32 s6, $0x1;
	s3 =	sadd.s32 s4, s19  }
0x9c: {  	s7 =	simm.s32 $0x0;
	s20 =	sshll.u32 s5, $0x1;
	s5 =	sadd.s32 s21, s3  }
0x9d: {  	[timem:s7], [sflag:s22] =	dma.local [hbm:s5], s20  }
0x9e: {  	_ =	swait.ge [sflag:s22], s20  }
0x9f: {  	s4 =	ssub.s32 $0x0, s20;
	[sflag:s22] =	ssyncset.done $0x0  }
0xa0: {  	[sflag:s22] =	ssyncadd.s32 s4;
	_ =	sdelay $0x1  }
0xa1: {  	s23 =	simm.s32 $0x1B8B  }
0xa2: {  	_ =	swait.ge [sflag:s23], $0x1  }
0xa3: {  	[sflag:s23] =	ssyncset.done $0x0  }
0xa4: {  	s25 =	simm.s32 $0x1B8E;
	s24 =	sld [smem:$0x3FFE];
	[sflag:s23] =	ssyncadd.s32 $0xFFFFFFFF  }
0xa5: {  	s26 =	simm.s32 $execute0_lowered;
	[smem:$0x3FD2] =	sst s25  }
0xa6: {  	s5 =	sshll.u32 s26, $0x1;
	_ =	strace $0x80000049;
	[dreg:$0x1] =	wrdreg $0xFFFFFFFF  }
0xa7: {  	s28 =	simm.s32 $_size_execute0_lowered;
	s3 =	sadd.s32 s3, s5;
	[dreg:$0x0] =	wrdreg $0x0  }
0xa8: {  	s5 =	sshll.u32 s28, $0x1;
	[dreg:$0x2] =	wrdreg s3  }
0xa9: {  	[dreg:$0x3] =	wrdreg s5  }
0xaa: {  	[dreg:$0x4] =	wrdreg $0xC0  }
0xab: {  	_ =	task [dreg:s7], $0x5FFFF  }
0xac: {  	[dreg:$0x1] =	wrdreg $0xFFFFFFFF  }
0xad: {  	[dreg:$0x0] =	wrdreg $0x60  }
0xae: {  	[dreg:$0x2] =	wrdreg s24  }
0xaf: {  	[dreg:$0x3] =	wrdreg s2  }
0xb0: {  	[dreg:$0x4] =	wrdreg $0x9  }
0xb1: {  	_ =	task.clear_ibuf [dreg:s7], $0x5FFFF;
	_ =	strace $0x90000049  }
0xb2: {  	s29 =	simm.s32 $0x9;
	_ =	strace $0x8000004B  }
0xb3: {  	_ =	swait.ge [sflag:s29], $0x1  }
0xb4: {  	[sflag:s29] =	ssyncadd.s32 $0xFFFFFFFF  }
0xb5: {  	_ =	strace $0x9000004B  }
0xb6: {  	_ =	sfence  }
0xb7: {  	s30 =	sld [smem:$0x0];
	_ =	sdelay $0x2  }
0xb8: {  	s31 =	sshll.u32 s1, $0xD;
	s1 =	sshrl.u32 s1, $0x2  }
0xb9: {  	s3 =	sand.u32 $0x4000, s31;
	s1 =	sadd.s32 s1, s30  }
0xba: {  	s0 =	sor.u32 s3, s0;
	s1 =	sshll.u32 s1, $0x11  }
0xbb: {  	s0 =	sor.u32 s1, s0  }
0xbc: {  	s0 =	sadd.s32 $0x8F2B, s0  }
0xbd: {  	[sflag:s0] =	ssyncadd.remote.s32 $0x1  }
0xbe: {  	_ =	sfence.sel $0xFFFF  }
0xbf: {  	[dreg:$0x0] =	wrdreg $0xFFFFFFFF;
	(pc) =	sbr.abs _section_cstart, $3  }
0xc0: {  	[dreg:$0x1] =	wrdreg $0xFFFFFFFF  }
0xc1: {  	_ =	task.clear_ibuf [dreg:s7], $0x2FFFF;
	_ =	strace $0x9FFFFFFF  }
0xc2: {  	(tm) =	ssettm $0x7FFFFFFF  }
0xc3: {  	_ =	shalt  }
tec
execute0_lowered:
.L_overlay_start_1:
0x0: {  	(tag) =	ssettag $0x1  }
0x1: {  	s1 =	srdreg.scid  }
0x2: {  	s0 =	stileid.u32;
	s6 =	sand.u32 $0x1, s1  }
0x3: {  	s5 =	rddreg [dreg:$0x0];
	s30 =	sshll.u32 s0, $0x8;
	s2 =	sshll.u32 s6, $0x7  }
0x4: {  	s8 =	rddreg [dreg:$0x1];
	s9 =	sor.u32 s2, s30  }
0x5: {  	s1 =	rddreg [dreg:$0x2];
	s2 =	simm.s32 $0x0;
	s3 =	sshrl.u32 s9, $0x3  }
0x6: {  	s10 =	ssub.s32 $0x2, s6;
	[smem:$0x7FF] =	sst s2;
	s3 =	sadd.s32 s3, s5  }
0x7: {  	_ =	strace $0x8000004A;
	s4 =	sadd.s32 $0x1A00, s3;
	s3 =	simm.s32 $0x2  }
0x8: {  	[tilespmem:s2], [sflag:$0x2] =	stream.linear.gather [hbm4b:s4+s2], $0x80, $0x38;
	[tilespmem:$0x4080] =	vst v63  }
0x9: {  	s7 =	simm.s32 $0x1;
	s11 =	sshrl.u32 s10, $0x1;
	_ =	swait.ge [sflag:s3], $0x80  }
0xa: {  	s6 =	simm.s32 $0x80;
	s10 =	ssub.s32 s10, s11;
	[sflag:s3] =	ssyncset.done $0x0  }
0xb: {  	s5 =	sadd.s32 $0x1C00, s5;
	s31 =	smax.u32 s10, $0x1;
	[sflag:s3] =	ssyncadd.s32 $0xFFFFFF80  }
0xc: {  	[tilespmem:s6], [sflag:$0x1] =	stream.indirect.gather [hbm4b:s5+s6], $0x80, s2, s6, $0xb8;
	[tilespmem:$0x4080] =	vst v63  }
0xd: {  	p0 =	sne.s32 s31, $0x1;
	_ =	swait.ge [sflag:s7], $0x4000  }
.Ltmp0:
0xe: {  	s9 =	sshll.u32 s9, $0x4;
	[sflag:s7] =	ssyncset.done $0x0;
	(pc) =	sbr.rel @!p0 .LBB2_2-.Ltmp0, $4  }
0xf: {  	s8 =	sadd.s32 s8, s9;
	[sflag:s7] =	ssyncadd.s32 $0xFFFFC000  }
0x10: {  	[hbm4b:s8+s2] =	stream.linear.scatter [tilespmem:s6], [sflag:$0x2], $0x4000, $0x38;
	[tilespmem:$0x4080] =	vst v63  }
0x11: {  	_ =	swait.ge [sflag:s3], $0x4000  }
0x12: {  	s9 =	sadd.s32 $0xFFFFFFFF, s31;
	[sflag:s3] =	ssyncset.done $0x0  }
.LBB2_1:
0x13: {  	p0 =	sne.s32 s9, $0x1;
	s9 =	sadd.s32 $0xFFFFFFFF, s9;
	[sflag:s3] =	ssyncadd.s32 $0xFFFFC000  }
0x14: {  	[tilespmem:s2], [sflag:$0x2] =	stream.linear.gather [hbm4b:s4+s2], $0x80, $0x38;
	[tilespmem:$0x4080] =	vst v63  }
0x15: {  	_ =	swait.ge [sflag:s3], $0x80  }
0x16: {  	[sflag:s3] =	ssyncset.done $0x0  }
0x17: {  	[sflag:s3] =	ssyncadd.s32 $0xFFFFFF80  }
0x18: {  	[tilespmem:s6], [sflag:$0x1] =	stream.indirect.gather [hbm4b:s5+s6], $0x80, s2, s6, $0xb8;
	[tilespmem:$0x4080] =	vst v63  }
0x19: {  	_ =	swait.ge [sflag:s7], $0x4000  }
.Ltmp1:
0x1a: {  	[sflag:s7] =	ssyncset.done $0x0;
	(pc) =	sbr.rel @p0 .LBB2_1-.Ltmp1, $4  }
0x1b: {  	[sflag:s7] =	ssyncadd.s32 $0xFFFFC000  }
0x1c: {  	[hbm4b:s8+s2] =	stream.linear.scatter [tilespmem:s6], [sflag:$0x2], $0x4000, $0x38;
	[tilespmem:$0x4080] =	vst v63  }
0x1d: {  	_ =	swait.ge [sflag:s3], $0x4000  }
0x1e: {  	[sflag:s3] =	ssyncset.done $0x0  }
.LBB2_2:
0x1f: {  	[sflag:s3] =	ssyncadd.s32 $0xFFFFC000  }
0x20: {  	_ =	sfence.sel $0x180000  }
0x21: {  	[bflag:$0x0] =	sbarrier.arrive $0xFFFF  }
0x22: {  	p0 =	sne.s32 s0, $0x0;
	_ =	strace $0x9000004A  }
0x23: {  	s0 =	sadd.s32 @!p0 $0x100000, s1;
	[bflag:$0x2] =	sbarrier.arrive $0xFFFF  }
0x24: {  	[sflag:s0] =	ssyncadd.tile.s32 @!p0 $0x1;
	_ =	shalt  }
.Lfunc_end2:
_tile_overlayer_lowered:
.L_overlay_start_2:
0x25: {  	(tag) =	ssettag $0x2  }
0x26: {  	s0 =	rddreg [dreg:$0x0];
	s2 =	stileid.u32  }
0x27: {  	s1 =	rddreg [dreg:$0x1];
	p0 =	sne.s32 s2, $0x0  }
0x28: {  	s3 =	rddreg [dreg:$0x2];
	[bflag:$0x3] =	sbarrier.arrive $0xFFFF;
	s2 =	simm.s32 @!p0 $0x1C02  }
0x29: {  	[timem:s3], [sflag:s2] =	dma.local @!p0 [hbm:s0], s1  }
0x2a: {  	s0 =	simm.s32 @!p0 $0x2  }
0x2b: {  	_ =	swait.ge @!p0 [sflag:s0], s1  }
0x2c: {  	s1 =	ssub.s32 @!p0 $0x0, s1;
	[sflag:s0] =	ssyncset.done @!p0 $0x0  }
0x2d: {  	[sflag:s0] =	ssyncadd.s32 @!p0 s1  }
0x2e: {  	[bflag:$0x3] =	sbarrier.arrive $0xFFFF  }
0x2f: {  	_ =	shalt  }

</sc_bundles>
